<compile_context>
chip_gen: v7x
topology: tpu7x:2x2x1
jax: 0.10.2.dev20260603
libtpu: 0.0.44.dev20260713+nightly
codegen_flags: <defaults>
</compile_context>

<pallas_src>
import functools

import jax
import jax.numpy as jnp
from jax import lax
from jax.experimental import pallas as pl
from jax.experimental.pallas import tpu as pltpu
from jax.experimental.pallas import tpu_sc as plsc

TOP_K = 2
NUM_EXPERTS = 64
D_MODEL = 768
N_TOKENS = 32768

E = NUM_EXPERTS
NC, NS, L = 2, 16, 16
NW = NC * NS
TPW = N_TOKENS // NW
CHUNK = 512
NGROUP = CHUNK // L
NCHUNK = TPW // CHUNK

BLOCK = 1024

NEG_INF = float("-inf")


def _tc_matmul_body(tokens_ref, wg_ref, logits_ref):
    logits_ref[...] = jnp.dot(
        tokens_ref[...], wg_ref[...], preferred_element_type=jnp.float32)


def _tc_matmul(tokens, w_gate):
    return pl.pallas_call(
        _tc_matmul_body,
        grid=(N_TOKENS // BLOCK,),
        in_specs=[
            pl.BlockSpec((BLOCK, D_MODEL), lambda i: (i, 0)),
            pl.BlockSpec((D_MODEL, E), lambda i: (0, 0)),
        ],
        out_specs=pl.BlockSpec((BLOCK, E), lambda i: (i, 0)),
        out_shape=jax.ShapeDtypeStruct((N_TOKENS, E), jnp.float32),
    )(tokens, w_gate)


def _sc_router_body(logits_hbm, sel_hbm, ew_hbm, loadp_hbm,
                    lg_v, ew_v, sel_v, cnt_v, red_v):
    c = lax.axis_index("c")
    s = lax.axis_index("s")
    wid = s * NC + c
    base = wid * TPW

    lane = lax.iota(jnp.int32, L)
    zf = jnp.zeros((L,), jnp.float32)
    zi = jnp.zeros((L,), jnp.int32)
    ones_i = jnp.ones((L,), jnp.int32)

    def zc(i, _):
        cnt_v[pl.ds(i * L, L)] = zi
        return 0
    lax.fori_loop(0, (L * E) // L, zc, 0, unroll=8)

    def do_chunk(ci, _):
        chunk_tok = ci * CHUNK
        pltpu.sync_copy(
            logits_hbm.at[pl.ds((base + chunk_tok) * E, CHUNK * E)], lg_v)

        def zw(i, _):
            ew_v[pl.ds(i * L, L)] = zf
            return 0
        lax.fori_loop(0, (CHUNK * E) // L, zw, 0, unroll=8)

        def do_group(g, _):
            rows = g * L + lane
            rowb = rows * E

            def scan_e(e, carry):
                m1, m2, i1, i2 = carry
                v = plsc.load_gather(lg_v, [rowb + e])
                ev = jnp.full((L,), e, jnp.int32)
                c1 = v > m1
                c2 = v > m2
                nm2 = jnp.where(c1, m1, jnp.where(c2, v, m2))
                ni2 = jnp.where(c1, i1, jnp.where(c2, ev, i2))
                nm1 = jnp.where(c1, v, m1)
                ni1 = jnp.where(c1, ev, i1)
                return nm1, nm2, ni1, ni2

            m1, m2, i1, i2 = lax.fori_loop(
                0, E, scan_e,
                (jnp.full((L,), NEG_INF, jnp.float32),
                 jnp.full((L,), NEG_INF, jnp.float32), zi, zi),
                unroll=8)

            ex = jnp.exp(m2 - m1)
            w1 = 1.0 / (1.0 + ex)
            w2 = ex * w1

            plsc.store_scatter(ew_v, [rowb + i1], w1)
            plsc.store_scatter(ew_v, [rowb + i2], w2)

            selb = (chunk_tok + rows) * 2
            plsc.store_scatter(sel_v, [selb], i1)
            plsc.store_scatter(sel_v, [selb + 1], i2)

            laneb = lane * E
            plsc.addupdate_scatter(cnt_v, [laneb + i1], ones_i)
            plsc.addupdate_scatter(cnt_v, [laneb + i2], ones_i, mask=w2 > 0.0)
            return 0

        lax.fori_loop(0, NGROUP, do_group, 0)

        pltpu.sync_copy(
            ew_v, ew_hbm.at[pl.ds((base + chunk_tok) * E, CHUNK * E)])
        return 0

    lax.fori_loop(0, NCHUNK, do_chunk, 0)

    pltpu.sync_copy(sel_v, sel_hbm.at[pl.ds(base * 2, TPW * 2)])

    for c4 in range(E // L):
        def rsum(r, acc):
            return acc + cnt_v[pl.ds(r * E + c4 * L, L)]
        acc = lax.fori_loop(0, L, rsum, zi, unroll=8)
        red_v[pl.ds(c4 * L, L)] = acc.astype(jnp.float32)

    pltpu.sync_copy(red_v, loadp_hbm.at[pl.ds(wid * E, E)])


def _make_sc_router():
    mesh = plsc.VectorSubcoreMesh(
        core_axis_name="c", subcore_axis_name="s", num_cores=NC)
    return pl.kernel(
        _sc_router_body,
        out_type=[
            jax.ShapeDtypeStruct((N_TOKENS * TOP_K,), jnp.int32),
            jax.ShapeDtypeStruct((N_TOKENS * E,), jnp.float32),
            jax.ShapeDtypeStruct((NW * E,), jnp.float32),
        ],
        mesh=mesh,
        scratch_types=[
            pltpu.VMEM((CHUNK * E,), jnp.float32),
            pltpu.VMEM((CHUNK * E,), jnp.float32),
            pltpu.VMEM((TPW * TOP_K,), jnp.int32),
            pltpu.VMEM((L * E,), jnp.int32),
            pltpu.VMEM((E,), jnp.float32),
        ],
        compiler_params=pltpu.CompilerParams(needs_layout_passes=False),
    )


@jax.jit
def kernel(tokens, w_gate, w_noise):
    del w_noise
    logits = _tc_matmul(tokens, w_gate)
    sel_f, ew_f, loadp = _make_sc_router()(logits.reshape(-1))
    return (
        logits,
        sel_f.reshape(N_TOKENS, TOP_K),
        ew_f.reshape(N_TOKENS, E),
        loadp.reshape(NW, E).sum(axis=0),
    )

# --- scband reference (transcript-rebuilt; emitter-appended) ---
"""Pipeline reference for scband-top-kgating-17746804867277 (READ-ONLY COPY).

The authoritative reference and input builder live on the scoring server;
editing this copy changes nothing except your own understanding.
"""

import jax, jax.numpy as jnp
import numpy as np

TOP_K = 2
NUM_EXPERTS = 64
D_MODEL = 768
N_TOKENS = 32768


def setup_inputs(seed: int = 0) -> dict:
    key = jax.random.key(seed)
    k1, k2, k3 = jax.random.split(key, 3)
    tokens = jax.random.normal(k1, (N_TOKENS, D_MODEL), dtype=jnp.float32)
    # Parameters (torch init is zeros; use small random values so top-k routing is non-degenerate)
    w_gate = jax.random.normal(k2, (D_MODEL, NUM_EXPERTS), dtype=jnp.float32) * 0.02
    w_noise = jax.random.normal(k3, (D_MODEL, NUM_EXPERTS), dtype=jnp.float32) * 0.02
    return {"tokens": tokens, "w_gate": w_gate, "w_noise": w_noise}


def reference(tokens, w_gate, w_noise):
    # _pool_tokens: tokens is 2D -> identity
    pooled = tokens if tokens.ndim == 2 else tokens.mean(axis=1)
    clean_logits = pooled @ w_gate
    # eval mode (self.training == False): noisy gating branch is skipped
    router_logits = clean_logits
    top_k = min(TOP_K, NUM_EXPERTS)
    topk_logits, selected_experts = jax.lax.top_k(router_logits, top_k)
    topk_weights = jax.nn.softmax(topk_logits, axis=1)
    rows = jnp.arange(router_logits.shape[0])[:, None]
    expert_weights = jnp.zeros_like(router_logits).at[rows, selected_experts].set(topk_weights)
    # _gates_to_load
    load = (expert_weights > 0).sum(axis=0).astype(router_logits.dtype)
    return (router_logits, selected_experts, expert_weights, load)

if __name__ == "__main__":
    import jax
    _d = setup_inputs()
    print(jax.jit(kernel)(*tuple(_d.values())))

</pallas_src>

<mosaic_0001>
#map = affine_map<(d0, d1) -> (0)>
module attributes {stable_mosaic.version = 14 : i64} {
  func.func @_sc_router_body(%arg0: i32, %arg1: i32, %arg2: memref<2097152xf32, #tpu.memory_space<hbm>>, %arg3: memref<65536xi32, #tpu.memory_space<hbm>>, %arg4: memref<2097152xf32, #tpu.memory_space<hbm>>, %arg5: memref<2048xf32, #tpu.memory_space<hbm>>, %arg6: memref<32768xf32, #tpu.memory_space<vmem>>, %arg7: memref<32768xf32, #tpu.memory_space<vmem>>, %arg8: memref<2048xi32, #tpu.memory_space<vmem>>, %arg9: memref<1024xi32, #tpu.memory_space<vmem>>, %arg10: memref<64xf32, #tpu.memory_space<vmem>>) attributes {dimension_semantics = [#tpu.dimension_semantics<core_parallel>, #tpu.dimension_semantics<subcore_parallel>], iteration_bounds = array<i64: 2, 16>, scalar_prefetch = 0 : i64, scratch_operands = 5 : i64, tpu.core_type = #tpu.core_type<sc_vector_subcore>, window_params = [{transform_indices = #map}, {transform_indices = #map}, {transform_indices = #map}, {transform_indices = #map}]} {
    %mul3A = arith.constant 2 : i32
    %mul3A_0 = arith.muli %arg1, %mul3A : i32
    %add3A = arith.addi %mul3A_0, %arg0 : i32
    %mul3A_1 = arith.constant 1024 : i32
    %mul3A_2 = arith.muli %add3A, %mul3A_1 : i32
    %iota3A = tpu.iota {dimensions = array<i32: 0>} : vector<16xi32>
    %broadcast_in_dim3A = arith.constant 0.000000e+00 : f32
    %broadcast_in_dim3A_3 = vector.broadcast %broadcast_in_dim3A : f32 to vector<16xf32>
    %broadcast_in_dim3A_4 = arith.constant 0 : i32
    %broadcast_in_dim3A_5 = vector.broadcast %broadcast_in_dim3A_4 : i32 to vector<16xi32>
    %broadcast_in_dim3A_6 = arith.constant 1 : i32
    %broadcast_in_dim3A_7 = vector.broadcast %broadcast_in_dim3A_6 : i32 to vector<16xi32>
    %scan3A = arith.constant 0 : i32
    %scan3A_8 = arith.constant 0 : i32
    %scan3A_9 = arith.constant 64 : i32
    %scan3A_10 = arith.addi %scan3A_8, %scan3A_9 : i32
    %scan3A_11 = arith.constant 8 : i32
    %scan3A_12 = scf.for %scan3A_59 = %scan3A_8 to %scan3A_10 step %scan3A_11 iter_args(%scan3A_60 = %scan3A) -> (i32)  : i32 {
      %mul3A_61 = arith.constant 16 : i32
      %mul3A_62 = arith.muli %scan3A_59, %mul3A_61 : i32
      %swap3A_63 = arith.index_cast %mul3A_62 : i32 to index
      %swap3A_64 = tpu.vector_load %arg9[%swap3A_63] {strides = array<i32>} : memref<1024xi32, #tpu.memory_space<vmem>>, vector<16xi32>,
      tpu.vector_store %arg9[%swap3A_63], %broadcast_in_dim3A_5 {strides = array<i32>} : memref<1024xi32, #tpu.memory_space<vmem>>, vector<16xi32>,
      %scan3A_65 = arith.constant 0 : i32
      %scan3A_66 = arith.constant 1 : i32
      %scan3A_67 = arith.addi %scan3A_59, %scan3A_66 : i32
      %mul3A_68 = arith.constant 16 : i32
      %mul3A_69 = arith.muli %scan3A_67, %mul3A_68 : i32
      %swap3A_70 = arith.index_cast %mul3A_69 : i32 to index
      %swap3A_71 = tpu.vector_load %arg9[%swap3A_70] {strides = array<i32>} : memref<1024xi32, #tpu.memory_space<vmem>>, vector<16xi32>,
      tpu.vector_store %arg9[%swap3A_70], %broadcast_in_dim3A_5 {strides = array<i32>} : memref<1024xi32, #tpu.memory_space<vmem>>, vector<16xi32>,
      %scan3A_72 = arith.constant 0 : i32
      %scan3A_73 = arith.constant 2 : i32
      %scan3A_74 = arith.addi %scan3A_59, %scan3A_73 : i32
      %mul3A_75 = arith.constant 16 : i32
      %mul3A_76 = arith.muli %scan3A_74, %mul3A_75 : i32
      %swap3A_77 = arith.index_cast %mul3A_76 : i32 to index
      %swap3A_78 = tpu.vector_load %arg9[%swap3A_77] {strides = array<i32>} : memref<1024xi32, #tpu.memory_space<vmem>>, vector<16xi32>,
      tpu.vector_store %arg9[%swap3A_77], %broadcast_in_dim3A_5 {strides = array<i32>} : memref<1024xi32, #tpu.memory_space<vmem>>, vector<16xi32>,
      %scan3A_79 = arith.constant 0 : i32
      %scan3A_80 = arith.constant 3 : i32
      %scan3A_81 = arith.addi %scan3A_59, %scan3A_80 : i32
      %mul3A_82 = arith.constant 16 : i32
      %mul3A_83 = arith.muli %scan3A_81, %mul3A_82 : i32
      %swap3A_84 = arith.index_cast %mul3A_83 : i32 to index
      %swap3A_85 = tpu.vector_load %arg9[%swap3A_84] {strides = array<i32>} : memref<1024xi32, #tpu.memory_space<vmem>>, vector<16xi32>,
      tpu.vector_store %arg9[%swap3A_84], %broadcast_in_dim3A_5 {strides = array<i32>} : memref<1024xi32, #tpu.memory_space<vmem>>, vector<16xi32>,
      %scan3A_86 = arith.constant 0 : i32
      %scan3A_87 = arith.constant 4 : i32
      %scan3A_88 = arith.addi %scan3A_59, %scan3A_87 : i32
      %mul3A_89 = arith.constant 16 : i32
      %mul3A_90 = arith.muli %scan3A_88, %mul3A_89 : i32
      %swap3A_91 = arith.index_cast %mul3A_90 : i32 to index
      %swap3A_92 = tpu.vector_load %arg9[%swap3A_91] {strides = array<i32>} : memref<1024xi32, #tpu.memory_space<vmem>>, vector<16xi32>,
      tpu.vector_store %arg9[%swap3A_91], %broadcast_in_dim3A_5 {strides = array<i32>} : memref<1024xi32, #tpu.memory_space<vmem>>, vector<16xi32>,
      %scan3A_93 = arith.constant 0 : i32
      %scan3A_94 = arith.constant 5 : i32
      %scan3A_95 = arith.addi %scan3A_59, %scan3A_94 : i32
      %mul3A_96 = arith.constant 16 : i32
      %mul3A_97 = arith.muli %scan3A_95, %mul3A_96 : i32
      %swap3A_98 = arith.index_cast %mul3A_97 : i32 to index
      %swap3A_99 = tpu.vector_load %arg9[%swap3A_98] {strides = array<i32>} : memref<1024xi32, #tpu.memory_space<vmem>>, vector<16xi32>,
      tpu.vector_store %arg9[%swap3A_98], %broadcast_in_dim3A_5 {strides = array<i32>} : memref<1024xi32, #tpu.memory_space<vmem>>, vector<16xi32>,
      %scan3A_100 = arith.constant 0 : i32
      %scan3A_101 = arith.constant 6 : i32
      %scan3A_102 = arith.addi %scan3A_59, %scan3A_101 : i32
      %mul3A_103 = arith.constant 16 : i32
      %mul3A_104 = arith.muli %scan3A_102, %mul3A_103 : i32
      %swap3A_105 = arith.index_cast %mul3A_104 : i32 to index
      %swap3A_106 = tpu.vector_load %arg9[%swap3A_105] {strides = array<i32>} : memref<1024xi32, #tpu.memory_space<vmem>>, vector<16xi32>,
      tpu.vector_store %arg9[%swap3A_105], %broadcast_in_dim3A_5 {strides = array<i32>} : memref<1024xi32, #tpu.memory_space<vmem>>, vector<16xi32>,
      %scan3A_107 = arith.constant 0 : i32
      %scan3A_108 = arith.constant 7 : i32
      %scan3A_109 = arith.addi %scan3A_59, %scan3A_108 : i32
      %mul3A_110 = arith.constant 16 : i32
      %mul3A_111 = arith.muli %scan3A_109, %mul3A_110 : i32
      %swap3A_112 = arith.index_cast %mul3A_111 : i32 to index
      %swap3A_113 = tpu.vector_load %arg9[%swap3A_112] {strides = array<i32>} : memref<1024xi32, #tpu.memory_space<vmem>>, vector<16xi32>,
      tpu.vector_store %arg9[%swap3A_112], %broadcast_in_dim3A_5 {strides = array<i32>} : memref<1024xi32, #tpu.memory_space<vmem>>, vector<16xi32>,
      %scan3A_114 = arith.constant 0 : i32
      scf.yield %scan3A_114 : i32
    }
    %scan3A_13 = arith.constant 64 : i32
    %scan3A_14 = arith.constant 0 : i32
    %scan3A_15 = arith.constant 0 : i32
    %scan3A_16 = arith.constant 2 : i32
    %scan3A_17 = arith.addi %scan3A_15, %scan3A_16 : i32
    %scan3A_18 = arith.constant 1 : i32
    %scan3A_19 = scf.for %scan3A_59 = %scan3A_15 to %scan3A_17 step %scan3A_18 iter_args(%scan3A_60 = %scan3A_14) -> (i32)  : i32 {
      %mul3A_61 = arith.constant 512 : i32
      %mul3A_62 = arith.muli %scan3A_59, %mul3A_61 : i32
      %add3A_63 = arith.addi %mul3A_2, %mul3A_62 : i32
      %mul3A_64 = arith.constant 64 : i32
      %mul3A_65 = arith.muli %add3A_63, %mul3A_64 : i32
      "tpu.region"() ({
        %run_scoped3A = tpu.sem_alloc : memref<!tpu.dma_semaphore, #tpu.memory_space<semaphore_mem>>
        %dma_start3A = tpu.memref_slice %arg2[%mul3A_65] : memref<2097152xf32, #tpu.memory_space<hbm>> -> memref<32768xf32, #tpu.memory_space<hbm>>
        %dma_start3A_84 = tpu.memref_slice %arg2[%mul3A_65] : memref<2097152xf32, #tpu.memory_space<hbm>> -> memref<32768xf32, #tpu.memory_space<hbm>>
        tpu.enqueue_dma source(%dma_start3A_84 : memref<32768xf32, #tpu.memory_space<hbm>>) target(%arg6 : memref<32768xf32, #tpu.memory_space<vmem>>) target_semaphore(%run_scoped3A : memref<!tpu.dma_semaphore, #tpu.memory_space<semaphore_mem>>)
        %dma_wait3A = tpu.memref_slice %arg2[%mul3A_65] : memref<2097152xf32, #tpu.memory_space<hbm>> -> memref<32768xf32, #tpu.memory_space<hbm>>
        %dma_wait3A_85 = tpu.memref_slice %arg2[%mul3A_65] : memref<2097152xf32, #tpu.memory_space<hbm>> -> memref<32768xf32, #tpu.memory_space<hbm>>
        tpu.wait_dma2 semaphore(%run_scoped3A : memref<!tpu.dma_semaphore, #tpu.memory_space<semaphore_mem>>) src(%dma_wait3A_85 : memref<32768xf32, #tpu.memory_space<hbm>>) dst(%arg6 : memref<32768xf32, #tpu.memory_space<vmem>>)
        tpu.yield
      }) : () -> ()
      %scan3A_66 = arith.constant 0 : i32
      %scan3A_67 = arith.constant 0 : i32
      %scan3A_68 = arith.constant 2048 : i32
      %scan3A_69 = arith.addi %scan3A_67, %scan3A_68 : i32
      %scan3A_70 = arith.constant 8 : i32
      %scan3A_71 = scf.for %scan3A_84 = %scan3A_67 to %scan3A_69 step %scan3A_70 iter_args(%scan3A_85 = %scan3A_66) -> (i32)  : i32 {
        %mul3A_86 = arith.constant 16 : i32
        %mul3A_87 = arith.muli %scan3A_84, %mul3A_86 : i32
        %swap3A_88 = arith.index_cast %mul3A_87 : i32 to index
        %swap3A_89 = tpu.vector_load %arg7[%swap3A_88] {strides = array<i32>} : memref<32768xf32, #tpu.memory_space<vmem>>, vector<16xf32>,
        tpu.vector_store %arg7[%swap3A_88], %broadcast_in_dim3A_3 {strides = array<i32>} : memref<32768xf32, #tpu.memory_space<vmem>>, vector<16xf32>,
        %scan3A_90 = arith.constant 0 : i32
        %scan3A_91 = arith.constant 1 : i32
        %scan3A_92 = arith.addi %scan3A_84, %scan3A_91 : i32
        %mul3A_93 = arith.constant 16 : i32
        %mul3A_94 = arith.muli %scan3A_92, %mul3A_93 : i32
        %swap3A_95 = arith.index_cast %mul3A_94 : i32 to index
        %swap3A_96 = tpu.vector_load %arg7[%swap3A_95] {strides = array<i32>} : memref<32768xf32, #tpu.memory_space<vmem>>, vector<16xf32>,
        tpu.vector_store %arg7[%swap3A_95], %broadcast_in_dim3A_3 {strides = array<i32>} : memref<32768xf32, #tpu.memory_space<vmem>>, vector<16xf32>,
        %scan3A_97 = arith.constant 0 : i32
        %scan3A_98 = arith.constant 2 : i32
        %scan3A_99 = arith.addi %scan3A_84, %scan3A_98 : i32
        %mul3A_100 = arith.constant 16 : i32
        %mul3A_101 = arith.muli %scan3A_99, %mul3A_100 : i32
        %swap3A_102 = arith.index_cast %mul3A_101 : i32 to index
        %swap3A_103 = tpu.vector_load %arg7[%swap3A_102] {strides = array<i32>} : memref<32768xf32, #tpu.memory_space<vmem>>, vector<16xf32>,
        tpu.vector_store %arg7[%swap3A_102], %broadcast_in_dim3A_3 {strides = array<i32>} : memref<32768xf32, #tpu.memory_space<vmem>>, vector<16xf32>,
        %scan3A_104 = arith.constant 0 : i32
        %scan3A_105 = arith.constant 3 : i32
        %scan3A_106 = arith.addi %scan3A_84, %scan3A_105 : i32
        %mul3A_107 = arith.constant 16 : i32
        %mul3A_108 = arith.muli %scan3A_106, %mul3A_107 : i32
        %swap3A_109 = arith.index_cast %mul3A_108 : i32 to index
        %swap3A_110 = tpu.vector_load %arg7[%swap3A_109] {strides = array<i32>} : memref<32768xf32, #tpu.memory_space<vmem>>, vector<16xf32>,
        tpu.vector_store %arg7[%swap3A_109], %broadcast_in_dim3A_3 {strides = array<i32>} : memref<32768xf32, #tpu.memory_space<vmem>>, vector<16xf32>,
        %scan3A_111 = arith.constant 0 : i32
        %scan3A_112 = arith.constant 4 : i32
        %scan3A_113 = arith.addi %scan3A_84, %scan3A_112 : i32
        %mul3A_114 = arith.constant 16 : i32
        %mul3A_115 = arith.muli %scan3A_113, %mul3A_114 : i32
        %swap3A_116 = arith.index_cast %mul3A_115 : i32 to index
        %swap3A_117 = tpu.vector_load %arg7[%swap3A_116] {strides = array<i32>} : memref<32768xf32, #tpu.memory_space<vmem>>, vector<16xf32>,
        tpu.vector_store %arg7[%swap3A_116], %broadcast_in_dim3A_3 {strides = array<i32>} : memref<32768xf32, #tpu.memory_space<vmem>>, vector<16xf32>,
        %scan3A_118 = arith.constant 0 : i32
        %scan3A_119 = arith.constant 5 : i32
        %scan3A_120 = arith.addi %scan3A_84, %scan3A_119 : i32
        %mul3A_121 = arith.constant 16 : i32
        %mul3A_122 = arith.muli %scan3A_120, %mul3A_121 : i32
        %swap3A_123 = arith.index_cast %mul3A_122 : i32 to index
        %swap3A_124 = tpu.vector_load %arg7[%swap3A_123] {strides = array<i32>} : memref<32768xf32, #tpu.memory_space<vmem>>, vector<16xf32>,
        tpu.vector_store %arg7[%swap3A_123], %broadcast_in_dim3A_3 {strides = array<i32>} : memref<32768xf32, #tpu.memory_space<vmem>>, vector<16xf32>,
        %scan3A_125 = arith.constant 0 : i32
        %scan3A_126 = arith.constant 6 : i32
        %scan3A_127 = arith.addi %scan3A_84, %scan3A_126 : i32
        %mul3A_128 = arith.constant 16 : i32
        %mul3A_129 = arith.muli %scan3A_127, %mul3A_128 : i32
        %swap3A_130 = arith.index_cast %mul3A_129 : i32 to index
        %swap3A_131 = tpu.vector_load %arg7[%swap3A_130] {strides = array<i32>} : memref<32768xf32, #tpu.memory_space<vmem>>, vector<16xf32>,
        tpu.vector_store %arg7[%swap3A_130], %broadcast_in_dim3A_3 {strides = array<i32>} : memref<32768xf32, #tpu.memory_space<vmem>>, vector<16xf32>,
        %scan3A_132 = arith.constant 0 : i32
        %scan3A_133 = arith.constant 7 : i32
        %scan3A_134 = arith.addi %scan3A_84, %scan3A_133 : i32
        %mul3A_135 = arith.constant 16 : i32
        %mul3A_136 = arith.muli %scan3A_134, %mul3A_135 : i32
        %swap3A_137 = arith.index_cast %mul3A_136 : i32 to index
        %swap3A_138 = tpu.vector_load %arg7[%swap3A_137] {strides = array<i32>} : memref<32768xf32, #tpu.memory_space<vmem>>, vector<16xf32>,
        tpu.vector_store %arg7[%swap3A_137], %broadcast_in_dim3A_3 {strides = array<i32>} : memref<32768xf32, #tpu.memory_space<vmem>>, vector<16xf32>,
        %scan3A_139 = arith.constant 0 : i32
        scf.yield %scan3A_139 : i32
      }
      %scan3A_72 = arith.constant 2048 : i32
      %scan3A_73 = arith.constant 0 : i32
      %scan3A_74 = arith.constant 0 : i32
      %scan3A_75 = arith.constant 32 : i32
      %scan3A_76 = arith.addi %scan3A_74, %scan3A_75 : i32
      %scan3A_77 = arith.constant 1 : i32
      %scan3A_78 = scf.for %scan3A_84 = %scan3A_74 to %scan3A_76 step %scan3A_77 iter_args(%scan3A_85 = %scan3A_73) -> (i32)  : i32 {
        %mul3A_86 = arith.constant 16 : i32
        %mul3A_87 = arith.muli %scan3A_84, %mul3A_86 : i32
        %add3A_88 = vector.broadcast %mul3A_87 : i32 to vector<16xi32>
        %add3A_89 = arith.addi %add3A_88, %iota3A : vector<16xi32>
        %mul3A_90 = arith.constant 64 : i32
        %mul3A_91 = vector.broadcast %mul3A_90 : i32 to vector<16xi32>
        %mul3A_92 = arith.muli %add3A_89, %mul3A_91 : vector<16xi32>
        %broadcast_in_dim3A_93 = arith.constant 0xFF800000 : f32
        %broadcast_in_dim3A_94 = vector.broadcast %broadcast_in_dim3A_93 : f32 to vector<16xf32>
        %broadcast_in_dim3A_95 = arith.constant 0xFF800000 : f32
        %broadcast_in_dim3A_96 = vector.broadcast %broadcast_in_dim3A_95 : f32 to vector<16xf32>
        %scan3A_97 = arith.constant 0 : i32
        %scan3A_98 = arith.constant 64 : i32
        %scan3A_99 = arith.addi %scan3A_97, %scan3A_98 : i32
        %scan3A_100 = arith.constant 8 : i32
        %scan3A_101:4 = scf.for %scan3A_127 = %scan3A_97 to %scan3A_99 step %scan3A_100 iter_args(%scan3A_128 = %broadcast_in_dim3A_94, %scan3A_129 = %broadcast_in_dim3A_96, %scan3A_130 = %broadcast_in_dim3A_5, %scan3A_131 = %broadcast_in_dim3A_5) -> (vector<16xf32>, vector<16xf32>, vector<16xi32>, vector<16xi32>)  : i32 {
          %add3A_132 = vector.broadcast %scan3A_127 : i32 to vector<16xi32>
          %add3A_133 = arith.addi %mul3A_92, %add3A_132 : vector<16xi32>
          %gather3A = tpu.vector_load_idx %arg6[%add3A_133] : memref<32768xf32, #tpu.memory_space<vmem>>[vector<16xi32>], vector<16xf32>,
          %broadcast_in_dim3A_134 = vector.broadcast %scan3A_127 : i32 to vector<16xi32>
          %gt3A_135 = arith.cmpf ogt, %gather3A, %scan3A_128 : vector<16xf32>
          %gt3A_136 = arith.cmpf ogt, %gather3A, %scan3A_129 : vector<16xf32>
          %select_n3A = arith.select %gt3A_136, %gather3A, %scan3A_129 : vector<16xi1>, vector<16xf32>
          %select_n3A_137 = arith.select %gt3A_135, %scan3A_128, %select_n3A : vector<16xi1>, vector<16xf32>
          %select_n3A_138 = arith.select %gt3A_136, %broadcast_in_dim3A_134, %scan3A_131 : vector<16xi1>, vector<16xi32>
          %select_n3A_139 = arith.select %gt3A_135, %scan3A_130, %select_n3A_138 : vector<16xi1>, vector<16xi32>
          %select_n3A_140 = arith.select %gt3A_135, %gather3A, %scan3A_128 : vector<16xi1>, vector<16xf32>
          %select_n3A_141 = arith.select %gt3A_135, %broadcast_in_dim3A_134, %scan3A_130 : vector<16xi1>, vector<16xi32>
          %scan3A_142 = arith.constant 1 : i32
          %scan3A_143 = arith.addi %scan3A_127, %scan3A_142 : i32
          %add3A_144 = vector.broadcast %scan3A_143 : i32 to vector<16xi32>
          %add3A_145 = arith.addi %mul3A_92, %add3A_144 : vector<16xi32>
          %gather3A_146 = tpu.vector_load_idx %arg6[%add3A_145] : memref<32768xf32, #tpu.memory_space<vmem>>[vector<16xi32>], vector<16xf32>,
          %broadcast_in_dim3A_147 = vector.broadcast %scan3A_143 : i32 to vector<16xi32>
          %gt3A_148 = arith.cmpf ogt, %gather3A_146, %select_n3A_140 : vector<16xf32>
          %gt3A_149 = arith.cmpf ogt, %gather3A_146, %select_n3A_137 : vector<16xf32>
          %select_n3A_150 = arith.select %gt3A_149, %gather3A_146, %select_n3A_137 : vector<16xi1>, vector<16xf32>
          %select_n3A_151 = arith.select %gt3A_148, %select_n3A_140, %select_n3A_150 : vector<16xi1>, vector<16xf32>
          %select_n3A_152 = arith.select %gt3A_149, %broadcast_in_dim3A_147, %select_n3A_139 : vector<16xi1>, vector<16xi32>
          %select_n3A_153 = arith.select %gt3A_148, %select_n3A_141, %select_n3A_152 : vector<16xi1>, vector<16xi32>
          %select_n3A_154 = arith.select %gt3A_148, %gather3A_146, %select_n3A_140 : vector<16xi1>, vector<16xf32>
          %select_n3A_155 = arith.select %gt3A_148, %broadcast_in_dim3A_147, %select_n3A_141 : vector<16xi1>, vector<16xi32>
          %scan3A_156 = arith.constant 2 : i32
          %scan3A_157 = arith.addi %scan3A_127, %scan3A_156 : i32
          %add3A_158 = vector.broadcast %scan3A_157 : i32 to vector<16xi32>
          %add3A_159 = arith.addi %mul3A_92, %add3A_158 : vector<16xi32>
          %gather3A_160 = tpu.vector_load_idx %arg6[%add3A_159] : memref<32768xf32, #tpu.memory_space<vmem>>[vector<16xi32>], vector<16xf32>,
          %broadcast_in_dim3A_161 = vector.broadcast %scan3A_157 : i32 to vector<16xi32>
          %gt3A_162 = arith.cmpf ogt, %gather3A_160, %select_n3A_154 : vector<16xf32>
          %gt3A_163 = arith.cmpf ogt, %gather3A_160, %select_n3A_151 : vector<16xf32>
          %select_n3A_164 = arith.select %gt3A_163, %gather3A_160, %select_n3A_151 : vector<16xi1>, vector<16xf32>
          %select_n3A_165 = arith.select %gt3A_162, %select_n3A_154, %select_n3A_164 : vector<16xi1>, vector<16xf32>
          %select_n3A_166 = arith.select %gt3A_163, %broadcast_in_dim3A_161, %select_n3A_153 : vector<16xi1>, vector<16xi32>
          %select_n3A_167 = arith.select %gt3A_162, %select_n3A_155, %select_n3A_166 : vector<16xi1>, vector<16xi32>
          %select_n3A_168 = arith.select %gt3A_162, %gather3A_160, %select_n3A_154 : vector<16xi1>, vector<16xf32>
          %select_n3A_169 = arith.select %gt3A_162, %broadcast_in_dim3A_161, %select_n3A_155 : vector<16xi1>, vector<16xi32>
          %scan3A_170 = arith.constant 3 : i32
          %scan3A_171 = arith.addi %scan3A_127, %scan3A_170 : i32
          %add3A_172 = vector.broadcast %scan3A_171 : i32 to vector<16xi32>
          %add3A_173 = arith.addi %mul3A_92, %add3A_172 : vector<16xi32>
          %gather3A_174 = tpu.vector_load_idx %arg6[%add3A_173] : memref<32768xf32, #tpu.memory_space<vmem>>[vector<16xi32>], vector<16xf32>,
          %broadcast_in_dim3A_175 = vector.broadcast %scan3A_171 : i32 to vector<16xi32>
          %gt3A_176 = arith.cmpf ogt, %gather3A_174, %select_n3A_168 : vector<16xf32>
          %gt3A_177 = arith.cmpf ogt, %gather3A_174, %select_n3A_165 : vector<16xf32>
          %select_n3A_178 = arith.select %gt3A_177, %gather3A_174, %select_n3A_165 : vector<16xi1>, vector<16xf32>
          %select_n3A_179 = arith.select %gt3A_176, %select_n3A_168, %select_n3A_178 : vector<16xi1>, vector<16xf32>
          %select_n3A_180 = arith.select %gt3A_177, %broadcast_in_dim3A_175, %select_n3A_167 : vector<16xi1>, vector<16xi32>
          %select_n3A_181 = arith.select %gt3A_176, %select_n3A_169, %select_n3A_180 : vector<16xi1>, vector<16xi32>
          %select_n3A_182 = arith.select %gt3A_176, %gather3A_174, %select_n3A_168 : vector<16xi1>, vector<16xf32>
          %select_n3A_183 = arith.select %gt3A_176, %broadcast_in_dim3A_175, %select_n3A_169 : vector<16xi1>, vector<16xi32>
          %scan3A_184 = arith.constant 4 : i32
          %scan3A_185 = arith.addi %scan3A_127, %scan3A_184 : i32
          %add3A_186 = vector.broadcast %scan3A_185 : i32 to vector<16xi32>
          %add3A_187 = arith.addi %mul3A_92, %add3A_186 : vector<16xi32>
          %gather3A_188 = tpu.vector_load_idx %arg6[%add3A_187] : memref<32768xf32, #tpu.memory_space<vmem>>[vector<16xi32>], vector<16xf32>,
          %broadcast_in_dim3A_189 = vector.broadcast %scan3A_185 : i32 to vector<16xi32>
          %gt3A_190 = arith.cmpf ogt, %gather3A_188, %select_n3A_182 : vector<16xf32>
          %gt3A_191 = arith.cmpf ogt, %gather3A_188, %select_n3A_179 : vector<16xf32>
          %select_n3A_192 = arith.select %gt3A_191, %gather3A_188, %select_n3A_179 : vector<16xi1>, vector<16xf32>
          %select_n3A_193 = arith.select %gt3A_190, %select_n3A_182, %select_n3A_192 : vector<16xi1>, vector<16xf32>
          %select_n3A_194 = arith.select %gt3A_191, %broadcast_in_dim3A_189, %select_n3A_181 : vector<16xi1>, vector<16xi32>
          %select_n3A_195 = arith.select %gt3A_190, %select_n3A_183, %select_n3A_194 : vector<16xi1>, vector<16xi32>
          %select_n3A_196 = arith.select %gt3A_190, %gather3A_188, %select_n3A_182 : vector<16xi1>, vector<16xf32>
          %select_n3A_197 = arith.select %gt3A_190, %broadcast_in_dim3A_189, %select_n3A_183 : vector<16xi1>, vector<16xi32>
          %scan3A_198 = arith.constant 5 : i32
          %scan3A_199 = arith.addi %scan3A_127, %scan3A_198 : i32
          %add3A_200 = vector.broadcast %scan3A_199 : i32 to vector<16xi32>
          %add3A_201 = arith.addi %mul3A_92, %add3A_200 : vector<16xi32>
          %gather3A_202 = tpu.vector_load_idx %arg6[%add3A_201] : memref<32768xf32, #tpu.memory_space<vmem>>[vector<16xi32>], vector<16xf32>,
          %broadcast_in_dim3A_203 = vector.broadcast %scan3A_199 : i32 to vector<16xi32>
          %gt3A_204 = arith.cmpf ogt, %gather3A_202, %select_n3A_196 : vector<16xf32>
          %gt3A_205 = arith.cmpf ogt, %gather3A_202, %select_n3A_193 : vector<16xf32>
          %select_n3A_206 = arith.select %gt3A_205, %gather3A_202, %select_n3A_193 : vector<16xi1>, vector<16xf32>
          %select_n3A_207 = arith.select %gt3A_204, %select_n3A_196, %select_n3A_206 : vector<16xi1>, vector<16xf32>
          %select_n3A_208 = arith.select %gt3A_205, %broadcast_in_dim3A_203, %select_n3A_195 : vector<16xi1>, vector<16xi32>
          %select_n3A_209 = arith.select %gt3A_204, %select_n3A_197, %select_n3A_208 : vector<16xi1>, vector<16xi32>
          %select_n3A_210 = arith.select %gt3A_204, %gather3A_202, %select_n3A_196 : vector<16xi1>, vector<16xf32>
          %select_n3A_211 = arith.select %gt3A_204, %broadcast_in_dim3A_203, %select_n3A_197 : vector<16xi1>, vector<16xi32>
          %scan3A_212 = arith.constant 6 : i32
          %scan3A_213 = arith.addi %scan3A_127, %scan3A_212 : i32
          %add3A_214 = vector.broadcast %scan3A_213 : i32 to vector<16xi32>
          %add3A_215 = arith.addi %mul3A_92, %add3A_214 : vector<16xi32>
          %gather3A_216 = tpu.vector_load_idx %arg6[%add3A_215] : memref<32768xf32, #tpu.memory_space<vmem>>[vector<16xi32>], vector<16xf32>,
          %broadcast_in_dim3A_217 = vector.broadcast %scan3A_213 : i32 to vector<16xi32>
          %gt3A_218 = arith.cmpf ogt, %gather3A_216, %select_n3A_210 : vector<16xf32>
          %gt3A_219 = arith.cmpf ogt, %gather3A_216, %select_n3A_207 : vector<16xf32>
          %select_n3A_220 = arith.select %gt3A_219, %gather3A_216, %select_n3A_207 : vector<16xi1>, vector<16xf32>
          %select_n3A_221 = arith.select %gt3A_218, %select_n3A_210, %select_n3A_220 : vector<16xi1>, vector<16xf32>
          %select_n3A_222 = arith.select %gt3A_219, %broadcast_in_dim3A_217, %select_n3A_209 : vector<16xi1>, vector<16xi32>
          %select_n3A_223 = arith.select %gt3A_218, %select_n3A_211, %select_n3A_222 : vector<16xi1>, vector<16xi32>
          %select_n3A_224 = arith.select %gt3A_218, %gather3A_216, %select_n3A_210 : vector<16xi1>, vector<16xf32>
          %select_n3A_225 = arith.select %gt3A_218, %broadcast_in_dim3A_217, %select_n3A_211 : vector<16xi1>, vector<16xi32>
          %scan3A_226 = arith.constant 7 : i32
          %scan3A_227 = arith.addi %scan3A_127, %scan3A_226 : i32
          %add3A_228 = vector.broadcast %scan3A_227 : i32 to vector<16xi32>
          %add3A_229 = arith.addi %mul3A_92, %add3A_228 : vector<16xi32>
          %gather3A_230 = tpu.vector_load_idx %arg6[%add3A_229] : memref<32768xf32, #tpu.memory_space<vmem>>[vector<16xi32>], vector<16xf32>,
          %broadcast_in_dim3A_231 = vector.broadcast %scan3A_227 : i32 to vector<16xi32>
          %gt3A_232 = arith.cmpf ogt, %gather3A_230, %select_n3A_224 : vector<16xf32>
          %gt3A_233 = arith.cmpf ogt, %gather3A_230, %select_n3A_221 : vector<16xf32>
          %select_n3A_234 = arith.select %gt3A_233, %gather3A_230, %select_n3A_221 : vector<16xi1>, vector<16xf32>
          %select_n3A_235 = arith.select %gt3A_232, %select_n3A_224, %select_n3A_234 : vector<16xi1>, vector<16xf32>
          %select_n3A_236 = arith.select %gt3A_233, %broadcast_in_dim3A_231, %select_n3A_223 : vector<16xi1>, vector<16xi32>
          %select_n3A_237 = arith.select %gt3A_232, %select_n3A_225, %select_n3A_236 : vector<16xi1>, vector<16xi32>
          %select_n3A_238 = arith.select %gt3A_232, %gather3A_230, %select_n3A_224 : vector<16xi1>, vector<16xf32>
          %select_n3A_239 = arith.select %gt3A_232, %broadcast_in_dim3A_231, %select_n3A_225 : vector<16xi1>, vector<16xi32>
          scf.yield %select_n3A_238, %select_n3A_235, %select_n3A_239, %select_n3A_237 : vector<16xf32>, vector<16xf32>, vector<16xi32>, vector<16xi32>
        }
        %scan3A_102 = arith.constant 64 : i32
        %sub3A = arith.subf %scan3A_101#1, %scan3A_101#0 : vector<16xf32>
        %exp3A = math.exp %sub3A : vector<16xf32>
        %add3A_103 = arith.constant 1.000000e+00 : f32
        %add3A_104 = vector.broadcast %add3A_103 : f32 to vector<16xf32>
        %add3A_105 = arith.addf %add3A_104, %exp3A : vector<16xf32>
        %div3A = arith.constant 1.000000e+00 : f32
        %div3A_106 = vector.broadcast %div3A : f32 to vector<16xf32>
        %div3A_107 = arith.divf %div3A_106, %add3A_105 : vector<16xf32>
        %mul3A_108 = arith.mulf %exp3A, %div3A_107 : vector<16xf32>
        %add3A_109 = arith.addi %mul3A_92, %scan3A_101#2 : vector<16xi32>
        tpu.vector_store_idx %arg7[%add3A_109], %div3A_107 : memref<32768xf32, #tpu.memory_space<vmem>>[vector<16xi32>], vector<16xf32>,
        %add3A_110 = arith.addi %mul3A_92, %scan3A_101#3 : vector<16xi32>
        tpu.vector_store_idx %arg7[%add3A_110], %mul3A_108 : memref<32768xf32, #tpu.memory_space<vmem>>[vector<16xi32>], vector<16xf32>,
        %add3A_111 = vector.broadcast %mul3A_62 : i32 to vector<16xi32>
        %add3A_112 = arith.addi %add3A_111, %add3A_89 : vector<16xi32>
        %mul3A_113 = arith.constant 2 : i32
        %mul3A_114 = vector.broadcast %mul3A_113 : i32 to vector<16xi32>
        %mul3A_115 = arith.muli %add3A_112, %mul3A_114 : vector<16xi32>
        tpu.vector_store_idx %arg8[%mul3A_115], %scan3A_101#2 : memref<2048xi32, #tpu.memory_space<vmem>>[vector<16xi32>], vector<16xi32>,
        %add3A_116 = arith.constant 1 : i32
        %add3A_117 = vector.broadcast %add3A_116 : i32 to vector<16xi32>
        %add3A_118 = arith.addi %mul3A_115, %add3A_117 : vector<16xi32>
        tpu.vector_store_idx %arg8[%add3A_118], %scan3A_101#3 : memref<2048xi32, #tpu.memory_space<vmem>>[vector<16xi32>], vector<16xi32>,
        %mul3A_119 = arith.constant 64 : i32
        %mul3A_120 = vector.broadcast %mul3A_119 : i32 to vector<16xi32>
        %mul3A_121 = arith.muli %iota3A, %mul3A_120 : vector<16xi32>
        %add3A_122 = arith.addi %mul3A_121, %scan3A_101#2 : vector<16xi32>
        tpu.vector_store_idx %arg9[%add3A_122], %broadcast_in_dim3A_7 {add = true} : memref<1024xi32, #tpu.memory_space<vmem>>[vector<16xi32>], vector<16xi32>,
        %add3A_123 = arith.addi %mul3A_121, %scan3A_101#3 : vector<16xi32>
        %gt3A = arith.constant 0.000000e+00 : f32
        %gt3A_124 = vector.broadcast %gt3A : f32 to vector<16xf32>
        %gt3A_125 = arith.cmpf ogt, %mul3A_108, %gt3A_124 : vector<16xf32>
        tpu.vector_store_idx %arg9[%add3A_123], %broadcast_in_dim3A_7 masked %gt3A_125 {add = true} : memref<1024xi32, #tpu.memory_space<vmem>>[vector<16xi32>], vector<16xi32>, vector<16xi1>
        %scan3A_126 = arith.constant 0 : i32
        scf.yield %scan3A_126 : i32
      }
      %scan3A_79 = arith.constant 32 : i32
      %add3A_80 = arith.addi %mul3A_2, %mul3A_62 : i32
      %mul3A_81 = arith.constant 64 : i32
      %mul3A_82 = arith.muli %add3A_80, %mul3A_81 : i32
      "tpu.region"() ({
        %run_scoped3A = tpu.sem_alloc : memref<!tpu.dma_semaphore, #tpu.memory_space<semaphore_mem>>
        %dma_start3A = tpu.memref_slice %arg4[%mul3A_82] : memref<2097152xf32, #tpu.memory_space<hbm>> -> memref<32768xf32, #tpu.memory_space<hbm>>
        %dma_start3A_84 = tpu.memref_slice %arg4[%mul3A_82] : memref<2097152xf32, #tpu.memory_space<hbm>> -> memref<32768xf32, #tpu.memory_space<hbm>>
        tpu.enqueue_dma source(%arg7 : memref<32768xf32, #tpu.memory_space<vmem>>) target(%dma_start3A_84 : memref<32768xf32, #tpu.memory_space<hbm>>) target_semaphore(%run_scoped3A : memref<!tpu.dma_semaphore, #tpu.memory_space<semaphore_mem>>)
        %dma_wait3A = tpu.memref_slice %arg4[%mul3A_82] : memref<2097152xf32, #tpu.memory_space<hbm>> -> memref<32768xf32, #tpu.memory_space<hbm>>
        %dma_wait3A_85 = tpu.memref_slice %arg4[%mul3A_82] : memref<2097152xf32, #tpu.memory_space<hbm>> -> memref<32768xf32, #tpu.memory_space<hbm>>
        tpu.wait_dma2 semaphore(%run_scoped3A : memref<!tpu.dma_semaphore, #tpu.memory_space<semaphore_mem>>) src(%arg7 : memref<32768xf32, #tpu.memory_space<vmem>>) dst(%dma_wait3A_85 : memref<32768xf32, #tpu.memory_space<hbm>>)
        tpu.yield
      }) : () -> ()
      %scan3A_83 = arith.constant 0 : i32
      scf.yield %scan3A_83 : i32
    }
    %scan3A_20 = arith.constant 2 : i32
    %mul3A_21 = arith.constant 2 : i32
    %mul3A_22 = arith.muli %mul3A_2, %mul3A_21 : i32
    "tpu.region"() ({
      %run_scoped3A = tpu.sem_alloc : memref<!tpu.dma_semaphore, #tpu.memory_space<semaphore_mem>>
      %dma_start3A = tpu.memref_slice %arg3[%mul3A_22] : memref<65536xi32, #tpu.memory_space<hbm>> -> memref<2048xi32, #tpu.memory_space<hbm>>
      %dma_start3A_59 = tpu.memref_slice %arg3[%mul3A_22] : memref<65536xi32, #tpu.memory_space<hbm>> -> memref<2048xi32, #tpu.memory_space<hbm>>
      tpu.enqueue_dma source(%arg8 : memref<2048xi32, #tpu.memory_space<vmem>>) target(%dma_start3A_59 : memref<2048xi32, #tpu.memory_space<hbm>>) target_semaphore(%run_scoped3A : memref<!tpu.dma_semaphore, #tpu.memory_space<semaphore_mem>>)
      %dma_wait3A = tpu.memref_slice %arg3[%mul3A_22] : memref<65536xi32, #tpu.memory_space<hbm>> -> memref<2048xi32, #tpu.memory_space<hbm>>
      %dma_wait3A_60 = tpu.memref_slice %arg3[%mul3A_22] : memref<65536xi32, #tpu.memory_space<hbm>> -> memref<2048xi32, #tpu.memory_space<hbm>>
      tpu.wait_dma2 semaphore(%run_scoped3A : memref<!tpu.dma_semaphore, #tpu.memory_space<semaphore_mem>>) src(%arg8 : memref<2048xi32, #tpu.memory_space<vmem>>) dst(%dma_wait3A_60 : memref<2048xi32, #tpu.memory_space<hbm>>)
      tpu.yield
    }) : () -> ()
    %scan3A_23 = arith.constant 0 : i32
    %scan3A_24 = arith.constant 16 : i32
    %scan3A_25 = arith.addi %scan3A_23, %scan3A_24 : i32
    %scan3A_26 = arith.constant 8 : i32
    %scan3A_27 = scf.for %scan3A_59 = %scan3A_23 to %scan3A_25 step %scan3A_26 iter_args(%scan3A_60 = %broadcast_in_dim3A_5) -> (vector<16xi32>)  : i32 {
      %mul3A_61 = arith.constant 64 : i32
      %mul3A_62 = arith.muli %scan3A_59, %mul3A_61 : i32
      %add3A_63 = arith.constant 0 : i32
      %add3A_64 = arith.addi %mul3A_62, %add3A_63 : i32
      %get3A = arith.index_cast %add3A_64 : i32 to index
      %get3A_65 = tpu.vector_load %arg9[%get3A] {strides = array<i32>} : memref<1024xi32, #tpu.memory_space<vmem>>, vector<16xi32>,
      %add3A_66 = arith.addi %scan3A_60, %get3A_65 : vector<16xi32>
      %scan3A_67 = arith.constant 1 : i32
      %scan3A_68 = arith.addi %scan3A_59, %scan3A_67 : i32
      %mul3A_69 = arith.constant 64 : i32
      %mul3A_70 = arith.muli %scan3A_68, %mul3A_69 : i32
      %add3A_71 = arith.constant 0 : i32
      %add3A_72 = arith.addi %mul3A_70, %add3A_71 : i32
      %get3A_73 = arith.index_cast %add3A_72 : i32 to index
      %get3A_74 = tpu.vector_load %arg9[%get3A_73] {strides = array<i32>} : memref<1024xi32, #tpu.memory_space<vmem>>, vector<16xi32>,
      %add3A_75 = arith.addi %add3A_66, %get3A_74 : vector<16xi32>
      %scan3A_76 = arith.constant 2 : i32
      %scan3A_77 = arith.addi %scan3A_59, %scan3A_76 : i32
      %mul3A_78 = arith.constant 64 : i32
      %mul3A_79 = arith.muli %scan3A_77, %mul3A_78 : i32
      %add3A_80 = arith.constant 0 : i32
      %add3A_81 = arith.addi %mul3A_79, %add3A_80 : i32
      %get3A_82 = arith.index_cast %add3A_81 : i32 to index
      %get3A_83 = tpu.vector_load %arg9[%get3A_82] {strides = array<i32>} : memref<1024xi32, #tpu.memory_space<vmem>>, vector<16xi32>,
      %add3A_84 = arith.addi %add3A_75, %get3A_83 : vector<16xi32>
      %scan3A_85 = arith.constant 3 : i32
      %scan3A_86 = arith.addi %scan3A_59, %scan3A_85 : i32
      %mul3A_87 = arith.constant 64 : i32
      %mul3A_88 = arith.muli %scan3A_86, %mul3A_87 : i32
      %add3A_89 = arith.constant 0 : i32
      %add3A_90 = arith.addi %mul3A_88, %add3A_89 : i32
      %get3A_91 = arith.index_cast %add3A_90 : i32 to index
      %get3A_92 = tpu.vector_load %arg9[%get3A_91] {strides = array<i32>} : memref<1024xi32, #tpu.memory_space<vmem>>, vector<16xi32>,
      %add3A_93 = arith.addi %add3A_84, %get3A_92 : vector<16xi32>
      %scan3A_94 = arith.constant 4 : i32
      %scan3A_95 = arith.addi %scan3A_59, %scan3A_94 : i32
      %mul3A_96 = arith.constant 64 : i32
      %mul3A_97 = arith.muli %scan3A_95, %mul3A_96 : i32
      %add3A_98 = arith.constant 0 : i32
      %add3A_99 = arith.addi %mul3A_97, %add3A_98 : i32
      %get3A_100 = arith.index_cast %add3A_99 : i32 to index
      %get3A_101 = tpu.vector_load %arg9[%get3A_100] {strides = array<i32>} : memref<1024xi32, #tpu.memory_space<vmem>>, vector<16xi32>,
      %add3A_102 = arith.addi %add3A_93, %get3A_101 : vector<16xi32>
      %scan3A_103 = arith.constant 5 : i32
      %scan3A_104 = arith.addi %scan3A_59, %scan3A_103 : i32
      %mul3A_105 = arith.constant 64 : i32
      %mul3A_106 = arith.muli %scan3A_104, %mul3A_105 : i32
      %add3A_107 = arith.constant 0 : i32
      %add3A_108 = arith.addi %mul3A_106, %add3A_107 : i32
      %get3A_109 = arith.index_cast %add3A_108 : i32 to index
      %get3A_110 = tpu.vector_load %arg9[%get3A_109] {strides = array<i32>} : memref<1024xi32, #tpu.memory_space<vmem>>, vector<16xi32>,
      %add3A_111 = arith.addi %add3A_102, %get3A_110 : vector<16xi32>
      %scan3A_112 = arith.constant 6 : i32
      %scan3A_113 = arith.addi %scan3A_59, %scan3A_112 : i32
      %mul3A_114 = arith.constant 64 : i32
      %mul3A_115 = arith.muli %scan3A_113, %mul3A_114 : i32
      %add3A_116 = arith.constant 0 : i32
      %add3A_117 = arith.addi %mul3A_115, %add3A_116 : i32
      %get3A_118 = arith.index_cast %add3A_117 : i32 to index
      %get3A_119 = tpu.vector_load %arg9[%get3A_118] {strides = array<i32>} : memref<1024xi32, #tpu.memory_space<vmem>>, vector<16xi32>,
      %add3A_120 = arith.addi %add3A_111, %get3A_119 : vector<16xi32>
      %scan3A_121 = arith.constant 7 : i32
      %scan3A_122 = arith.addi %scan3A_59, %scan3A_121 : i32
      %mul3A_123 = arith.constant 64 : i32
      %mul3A_124 = arith.muli %scan3A_122, %mul3A_123 : i32
      %add3A_125 = arith.constant 0 : i32
      %add3A_126 = arith.addi %mul3A_124, %add3A_125 : i32
      %get3A_127 = arith.index_cast %add3A_126 : i32 to index
      %get3A_128 = tpu.vector_load %arg9[%get3A_127] {strides = array<i32>} : memref<1024xi32, #tpu.memory_space<vmem>>, vector<16xi32>,
      %add3A_129 = arith.addi %add3A_120, %get3A_128 : vector<16xi32>
      scf.yield %add3A_129 : vector<16xi32>
    }
    %scan3A_28 = arith.constant 16 : i32
    %convert_element_type3A = arith.sitofp %scan3A_27 : vector<16xi32> to vector<16xf32>
    %swap3A = arith.constant 0 : index
    %swap3A_29 = tpu.vector_load %arg10[%swap3A] {strides = array<i32>} : memref<64xf32, #tpu.memory_space<vmem>>, vector<16xf32>,
    tpu.vector_store %arg10[%swap3A], %convert_element_type3A {strides = array<i32>} : memref<64xf32, #tpu.memory_space<vmem>>, vector<16xf32>,
    %scan3A_30 = arith.constant 0 : i32
    %scan3A_31 = arith.constant 16 : i32
    %scan3A_32 = arith.addi %scan3A_30, %scan3A_31 : i32
    %scan3A_33 = arith.constant 8 : i32
    %scan3A_34 = scf.for %scan3A_59 = %scan3A_30 to %scan3A_32 step %scan3A_33 iter_args(%scan3A_60 = %broadcast_in_dim3A_5) -> (vector<16xi32>)  : i32 {
      %mul3A_61 = arith.constant 64 : i32
      %mul3A_62 = arith.muli %scan3A_59, %mul3A_61 : i32
      %add3A_63 = arith.constant 16 : i32
      %add3A_64 = arith.addi %mul3A_62, %add3A_63 : i32
      %get3A = arith.index_cast %add3A_64 : i32 to index
      %get3A_65 = tpu.vector_load %arg9[%get3A] {strides = array<i32>} : memref<1024xi32, #tpu.memory_space<vmem>>, vector<16xi32>,
      %add3A_66 = arith.addi %scan3A_60, %get3A_65 : vector<16xi32>
      %scan3A_67 = arith.constant 1 : i32
      %scan3A_68 = arith.addi %scan3A_59, %scan3A_67 : i32
      %mul3A_69 = arith.constant 64 : i32
      %mul3A_70 = arith.muli %scan3A_68, %mul3A_69 : i32
      %add3A_71 = arith.constant 16 : i32
      %add3A_72 = arith.addi %mul3A_70, %add3A_71 : i32
      %get3A_73 = arith.index_cast %add3A_72 : i32 to index
      %get3A_74 = tpu.vector_load %arg9[%get3A_73] {strides = array<i32>} : memref<1024xi32, #tpu.memory_space<vmem>>, vector<16xi32>,
      %add3A_75 = arith.addi %add3A_66, %get3A_74 : vector<16xi32>
      %scan3A_76 = arith.constant 2 : i32
      %scan3A_77 = arith.addi %scan3A_59, %scan3A_76 : i32
      %mul3A_78 = arith.constant 64 : i32
      %mul3A_79 = arith.muli %scan3A_77, %mul3A_78 : i32
      %add3A_80 = arith.constant 16 : i32
      %add3A_81 = arith.addi %mul3A_79, %add3A_80 : i32
      %get3A_82 = arith.index_cast %add3A_81 : i32 to index
      %get3A_83 = tpu.vector_load %arg9[%get3A_82] {strides = array<i32>} : memref<1024xi32, #tpu.memory_space<vmem>>, vector<16xi32>,
      %add3A_84 = arith.addi %add3A_75, %get3A_83 : vector<16xi32>
      %scan3A_85 = arith.constant 3 : i32
      %scan3A_86 = arith.addi %scan3A_59, %scan3A_85 : i32
      %mul3A_87 = arith.constant 64 : i32
      %mul3A_88 = arith.muli %scan3A_86, %mul3A_87 : i32
      %add3A_89 = arith.constant 16 : i32
      %add3A_90 = arith.addi %mul3A_88, %add3A_89 : i32
      %get3A_91 = arith.index_cast %add3A_90 : i32 to index
      %get3A_92 = tpu.vector_load %arg9[%get3A_91] {strides = array<i32>} : memref<1024xi32, #tpu.memory_space<vmem>>, vector<16xi32>,
      %add3A_93 = arith.addi %add3A_84, %get3A_92 : vector<16xi32>
      %scan3A_94 = arith.constant 4 : i32
      %scan3A_95 = arith.addi %scan3A_59, %scan3A_94 : i32
      %mul3A_96 = arith.constant 64 : i32
      %mul3A_97 = arith.muli %scan3A_95, %mul3A_96 : i32
      %add3A_98 = arith.constant 16 : i32
      %add3A_99 = arith.addi %mul3A_97, %add3A_98 : i32
      %get3A_100 = arith.index_cast %add3A_99 : i32 to index
      %get3A_101 = tpu.vector_load %arg9[%get3A_100] {strides = array<i32>} : memref<1024xi32, #tpu.memory_space<vmem>>, vector<16xi32>,
      %add3A_102 = arith.addi %add3A_93, %get3A_101 : vector<16xi32>
      %scan3A_103 = arith.constant 5 : i32
      %scan3A_104 = arith.addi %scan3A_59, %scan3A_103 : i32
      %mul3A_105 = arith.constant 64 : i32
      %mul3A_106 = arith.muli %scan3A_104, %mul3A_105 : i32
      %add3A_107 = arith.constant 16 : i32
      %add3A_108 = arith.addi %mul3A_106, %add3A_107 : i32
      %get3A_109 = arith.index_cast %add3A_108 : i32 to index
      %get3A_110 = tpu.vector_load %arg9[%get3A_109] {strides = array<i32>} : memref<1024xi32, #tpu.memory_space<vmem>>, vector<16xi32>,
      %add3A_111 = arith.addi %add3A_102, %get3A_110 : vector<16xi32>
      %scan3A_112 = arith.constant 6 : i32
      %scan3A_113 = arith.addi %scan3A_59, %scan3A_112 : i32
      %mul3A_114 = arith.constant 64 : i32
      %mul3A_115 = arith.muli %scan3A_113, %mul3A_114 : i32
      %add3A_116 = arith.constant 16 : i32
      %add3A_117 = arith.addi %mul3A_115, %add3A_116 : i32
      %get3A_118 = arith.index_cast %add3A_117 : i32 to index
      %get3A_119 = tpu.vector_load %arg9[%get3A_118] {strides = array<i32>} : memref<1024xi32, #tpu.memory_space<vmem>>, vector<16xi32>,
      %add3A_120 = arith.addi %add3A_111, %get3A_119 : vector<16xi32>
      %scan3A_121 = arith.constant 7 : i32
      %scan3A_122 = arith.addi %scan3A_59, %scan3A_121 : i32
      %mul3A_123 = arith.constant 64 : i32
      %mul3A_124 = arith.muli %scan3A_122, %mul3A_123 : i32
      %add3A_125 = arith.constant 16 : i32
      %add3A_126 = arith.addi %mul3A_124, %add3A_125 : i32
      %get3A_127 = arith.index_cast %add3A_126 : i32 to index
      %get3A_128 = tpu.vector_load %arg9[%get3A_127] {strides = array<i32>} : memref<1024xi32, #tpu.memory_space<vmem>>, vector<16xi32>,
      %add3A_129 = arith.addi %add3A_120, %get3A_128 : vector<16xi32>
      scf.yield %add3A_129 : vector<16xi32>
    }
    %scan3A_35 = arith.constant 16 : i32
    %convert_element_type3A_36 = arith.sitofp %scan3A_34 : vector<16xi32> to vector<16xf32>
    %swap3A_37 = arith.constant 16 : index
    %swap3A_38 = tpu.vector_load %arg10[%swap3A_37] {strides = array<i32>} : memref<64xf32, #tpu.memory_space<vmem>>, vector<16xf32>,
    tpu.vector_store %arg10[%swap3A_37], %convert_element_type3A_36 {strides = array<i32>} : memref<64xf32, #tpu.memory_space<vmem>>, vector<16xf32>,
    %scan3A_39 = arith.constant 0 : i32
    %scan3A_40 = arith.constant 16 : i32
    %scan3A_41 = arith.addi %scan3A_39, %scan3A_40 : i32
    %scan3A_42 = arith.constant 8 : i32
    %scan3A_43 = scf.for %scan3A_59 = %scan3A_39 to %scan3A_41 step %scan3A_42 iter_args(%scan3A_60 = %broadcast_in_dim3A_5) -> (vector<16xi32>)  : i32 {
      %mul3A_61 = arith.constant 64 : i32
      %mul3A_62 = arith.muli %scan3A_59, %mul3A_61 : i32
      %add3A_63 = arith.constant 32 : i32
      %add3A_64 = arith.addi %mul3A_62, %add3A_63 : i32
      %get3A = arith.index_cast %add3A_64 : i32 to index
      %get3A_65 = tpu.vector_load %arg9[%get3A] {strides = array<i32>} : memref<1024xi32, #tpu.memory_space<vmem>>, vector<16xi32>,
      %add3A_66 = arith.addi %scan3A_60, %get3A_65 : vector<16xi32>
      %scan3A_67 = arith.constant 1 : i32
      %scan3A_68 = arith.addi %scan3A_59, %scan3A_67 : i32
      %mul3A_69 = arith.constant 64 : i32
      %mul3A_70 = arith.muli %scan3A_68, %mul3A_69 : i32
      %add3A_71 = arith.constant 32 : i32
      %add3A_72 = arith.addi %mul3A_70, %add3A_71 : i32
      %get3A_73 = arith.index_cast %add3A_72 : i32 to index
      %get3A_74 = tpu.vector_load %arg9[%get3A_73] {strides = array<i32>} : memref<1024xi32, #tpu.memory_space<vmem>>, vector<16xi32>,
      %add3A_75 = arith.addi %add3A_66, %get3A_74 : vector<16xi32>
      %scan3A_76 = arith.constant 2 : i32
      %scan3A_77 = arith.addi %scan3A_59, %scan3A_76 : i32
      %mul3A_78 = arith.constant 64 : i32
      %mul3A_79 = arith.muli %scan3A_77, %mul3A_78 : i32
      %add3A_80 = arith.constant 32 : i32
      %add3A_81 = arith.addi %mul3A_79, %add3A_80 : i32
      %get3A_82 = arith.index_cast %add3A_81 : i32 to index
      %get3A_83 = tpu.vector_load %arg9[%get3A_82] {strides = array<i32>} : memref<1024xi32, #tpu.memory_space<vmem>>, vector<16xi32>,
      %add3A_84 = arith.addi %add3A_75, %get3A_83 : vector<16xi32>
      %scan3A_85 = arith.constant 3 : i32
      %scan3A_86 = arith.addi %scan3A_59, %scan3A_85 : i32
      %mul3A_87 = arith.constant 64 : i32
      %mul3A_88 = arith.muli %scan3A_86, %mul3A_87 : i32
      %add3A_89 = arith.constant 32 : i32
      %add3A_90 = arith.addi %mul3A_88, %add3A_89 : i32
      %get3A_91 = arith.index_cast %add3A_90 : i32 to index
      %get3A_92 = tpu.vector_load %arg9[%get3A_91] {strides = array<i32>} : memref<1024xi32, #tpu.memory_space<vmem>>, vector<16xi32>,
      %add3A_93 = arith.addi %add3A_84, %get3A_92 : vector<16xi32>
      %scan3A_94 = arith.constant 4 : i32
      %scan3A_95 = arith.addi %scan3A_59, %scan3A_94 : i32
      %mul3A_96 = arith.constant 64 : i32
      %mul3A_97 = arith.muli %scan3A_95, %mul3A_96 : i32
      %add3A_98 = arith.constant 32 : i32
      %add3A_99 = arith.addi %mul3A_97, %add3A_98 : i32
      %get3A_100 = arith.index_cast %add3A_99 : i32 to index
      %get3A_101 = tpu.vector_load %arg9[%get3A_100] {strides = array<i32>} : memref<1024xi32, #tpu.memory_space<vmem>>, vector<16xi32>,
      %add3A_102 = arith.addi %add3A_93, %get3A_101 : vector<16xi32>
      %scan3A_103 = arith.constant 5 : i32
      %scan3A_104 = arith.addi %scan3A_59, %scan3A_103 : i32
      %mul3A_105 = arith.constant 64 : i32
      %mul3A_106 = arith.muli %scan3A_104, %mul3A_105 : i32
      %add3A_107 = arith.constant 32 : i32
      %add3A_108 = arith.addi %mul3A_106, %add3A_107 : i32
      %get3A_109 = arith.index_cast %add3A_108 : i32 to index
      %get3A_110 = tpu.vector_load %arg9[%get3A_109] {strides = array<i32>} : memref<1024xi32, #tpu.memory_space<vmem>>, vector<16xi32>,
      %add3A_111 = arith.addi %add3A_102, %get3A_110 : vector<16xi32>
      %scan3A_112 = arith.constant 6 : i32
      %scan3A_113 = arith.addi %scan3A_59, %scan3A_112 : i32
      %mul3A_114 = arith.constant 64 : i32
      %mul3A_115 = arith.muli %scan3A_113, %mul3A_114 : i32
      %add3A_116 = arith.constant 32 : i32
      %add3A_117 = arith.addi %mul3A_115, %add3A_116 : i32
      %get3A_118 = arith.index_cast %add3A_117 : i32 to index
      %get3A_119 = tpu.vector_load %arg9[%get3A_118] {strides = array<i32>} : memref<1024xi32, #tpu.memory_space<vmem>>, vector<16xi32>,
      %add3A_120 = arith.addi %add3A_111, %get3A_119 : vector<16xi32>
      %scan3A_121 = arith.constant 7 : i32
      %scan3A_122 = arith.addi %scan3A_59, %scan3A_121 : i32
      %mul3A_123 = arith.constant 64 : i32
      %mul3A_124 = arith.muli %scan3A_122, %mul3A_123 : i32
      %add3A_125 = arith.constant 32 : i32
      %add3A_126 = arith.addi %mul3A_124, %add3A_125 : i32
      %get3A_127 = arith.index_cast %add3A_126 : i32 to index
      %get3A_128 = tpu.vector_load %arg9[%get3A_127] {strides = array<i32>} : memref<1024xi32, #tpu.memory_space<vmem>>, vector<16xi32>,
      %add3A_129 = arith.addi %add3A_120, %get3A_128 : vector<16xi32>
      scf.yield %add3A_129 : vector<16xi32>
    }
    %scan3A_44 = arith.constant 16 : i32
    %convert_element_type3A_45 = arith.sitofp %scan3A_43 : vector<16xi32> to vector<16xf32>
    %swap3A_46 = arith.constant 32 : index
    %swap3A_47 = tpu.vector_load %arg10[%swap3A_46] {strides = array<i32>} : memref<64xf32, #tpu.memory_space<vmem>>, vector<16xf32>,
    tpu.vector_store %arg10[%swap3A_46], %convert_element_type3A_45 {strides = array<i32>} : memref<64xf32, #tpu.memory_space<vmem>>, vector<16xf32>,
    %scan3A_48 = arith.constant 0 : i32
    %scan3A_49 = arith.constant 16 : i32
    %scan3A_50 = arith.addi %scan3A_48, %scan3A_49 : i32
    %scan3A_51 = arith.constant 8 : i32
    %scan3A_52 = scf.for %scan3A_59 = %scan3A_48 to %scan3A_50 step %scan3A_51 iter_args(%scan3A_60 = %broadcast_in_dim3A_5) -> (vector<16xi32>)  : i32 {
      %mul3A_61 = arith.constant 64 : i32
      %mul3A_62 = arith.muli %scan3A_59, %mul3A_61 : i32
      %add3A_63 = arith.constant 48 : i32
      %add3A_64 = arith.addi %mul3A_62, %add3A_63 : i32
      %get3A = arith.index_cast %add3A_64 : i32 to index
      %get3A_65 = tpu.vector_load %arg9[%get3A] {strides = array<i32>} : memref<1024xi32, #tpu.memory_space<vmem>>, vector<16xi32>,
      %add3A_66 = arith.addi %scan3A_60, %get3A_65 : vector<16xi32>
      %scan3A_67 = arith.constant 1 : i32
      %scan3A_68 = arith.addi %scan3A_59, %scan3A_67 : i32
      %mul3A_69 = arith.constant 64 : i32
      %mul3A_70 = arith.muli %scan3A_68, %mul3A_69 : i32
      %add3A_71 = arith.constant 48 : i32
      %add3A_72 = arith.addi %mul3A_70, %add3A_71 : i32
      %get3A_73 = arith.index_cast %add3A_72 : i32 to index
      %get3A_74 = tpu.vector_load %arg9[%get3A_73] {strides = array<i32>} : memref<1024xi32, #tpu.memory_space<vmem>>, vector<16xi32>,
      %add3A_75 = arith.addi %add3A_66, %get3A_74 : vector<16xi32>
      %scan3A_76 = arith.constant 2 : i32
      %scan3A_77 = arith.addi %scan3A_59, %scan3A_76 : i32
      %mul3A_78 = arith.constant 64 : i32
      %mul3A_79 = arith.muli %scan3A_77, %mul3A_78 : i32
      %add3A_80 = arith.constant 48 : i32
      %add3A_81 = arith.addi %mul3A_79, %add3A_80 : i32
      %get3A_82 = arith.index_cast %add3A_81 : i32 to index
      %get3A_83 = tpu.vector_load %arg9[%get3A_82] {strides = array<i32>} : memref<1024xi32, #tpu.memory_space<vmem>>, vector<16xi32>,
      %add3A_84 = arith.addi %add3A_75, %get3A_83 : vector<16xi32>
      %scan3A_85 = arith.constant 3 : i32
      %scan3A_86 = arith.addi %scan3A_59, %scan3A_85 : i32
      %mul3A_87 = arith.constant 64 : i32
      %mul3A_88 = arith.muli %scan3A_86, %mul3A_87 : i32
      %add3A_89 = arith.constant 48 : i32
      %add3A_90 = arith.addi %mul3A_88, %add3A_89 : i32
      %get3A_91 = arith.index_cast %add3A_90 : i32 to index
      %get3A_92 = tpu.vector_load %arg9[%get3A_91] {strides = array<i32>} : memref<1024xi32, #tpu.memory_space<vmem>>, vector<16xi32>,
      %add3A_93 = arith.addi %add3A_84, %get3A_92 : vector<16xi32>
      %scan3A_94 = arith.constant 4 : i32
      %scan3A_95 = arith.addi %scan3A_59, %scan3A_94 : i32
      %mul3A_96 = arith.constant 64 : i32
      %mul3A_97 = arith.muli %scan3A_95, %mul3A_96 : i32
      %add3A_98 = arith.constant 48 : i32
      %add3A_99 = arith.addi %mul3A_97, %add3A_98 : i32
      %get3A_100 = arith.index_cast %add3A_99 : i32 to index
      %get3A_101 = tpu.vector_load %arg9[%get3A_100] {strides = array<i32>} : memref<1024xi32, #tpu.memory_space<vmem>>, vector<16xi32>,
      %add3A_102 = arith.addi %add3A_93, %get3A_101 : vector<16xi32>
      %scan3A_103 = arith.constant 5 : i32
      %scan3A_104 = arith.addi %scan3A_59, %scan3A_103 : i32
      %mul3A_105 = arith.constant 64 : i32
      %mul3A_106 = arith.muli %scan3A_104, %mul3A_105 : i32
      %add3A_107 = arith.constant 48 : i32
      %add3A_108 = arith.addi %mul3A_106, %add3A_107 : i32
      %get3A_109 = arith.index_cast %add3A_108 : i32 to index
      %get3A_110 = tpu.vector_load %arg9[%get3A_109] {strides = array<i32>} : memref<1024xi32, #tpu.memory_space<vmem>>, vector<16xi32>,
      %add3A_111 = arith.addi %add3A_102, %get3A_110 : vector<16xi32>
      %scan3A_112 = arith.constant 6 : i32
      %scan3A_113 = arith.addi %scan3A_59, %scan3A_112 : i32
      %mul3A_114 = arith.constant 64 : i32
      %mul3A_115 = arith.muli %scan3A_113, %mul3A_114 : i32
      %add3A_116 = arith.constant 48 : i32
      %add3A_117 = arith.addi %mul3A_115, %add3A_116 : i32
      %get3A_118 = arith.index_cast %add3A_117 : i32 to index
      %get3A_119 = tpu.vector_load %arg9[%get3A_118] {strides = array<i32>} : memref<1024xi32, #tpu.memory_space<vmem>>, vector<16xi32>,
      %add3A_120 = arith.addi %add3A_111, %get3A_119 : vector<16xi32>
      %scan3A_121 = arith.constant 7 : i32
      %scan3A_122 = arith.addi %scan3A_59, %scan3A_121 : i32
      %mul3A_123 = arith.constant 64 : i32
      %mul3A_124 = arith.muli %scan3A_122, %mul3A_123 : i32
      %add3A_125 = arith.constant 48 : i32
      %add3A_126 = arith.addi %mul3A_124, %add3A_125 : i32
      %get3A_127 = arith.index_cast %add3A_126 : i32 to index
      %get3A_128 = tpu.vector_load %arg9[%get3A_127] {strides = array<i32>} : memref<1024xi32, #tpu.memory_space<vmem>>, vector<16xi32>,
      %add3A_129 = arith.addi %add3A_120, %get3A_128 : vector<16xi32>
      scf.yield %add3A_129 : vector<16xi32>
    }
    %scan3A_53 = arith.constant 16 : i32
    %convert_element_type3A_54 = arith.sitofp %scan3A_52 : vector<16xi32> to vector<16xf32>
    %swap3A_55 = arith.constant 48 : index
    %swap3A_56 = tpu.vector_load %arg10[%swap3A_55] {strides = array<i32>} : memref<64xf32, #tpu.memory_space<vmem>>, vector<16xf32>,
    tpu.vector_store %arg10[%swap3A_55], %convert_element_type3A_54 {strides = array<i32>} : memref<64xf32, #tpu.memory_space<vmem>>, vector<16xf32>,
    %mul3A_57 = arith.constant 64 : i32
    %mul3A_58 = arith.muli %add3A, %mul3A_57 : i32
    "tpu.region"() ({
      %run_scoped3A = tpu.sem_alloc : memref<!tpu.dma_semaphore, #tpu.memory_space<semaphore_mem>>
      %dma_start3A = tpu.memref_slice %arg5[%mul3A_58] : memref<2048xf32, #tpu.memory_space<hbm>> -> memref<64xf32, #tpu.memory_space<hbm>>
      %dma_start3A_59 = tpu.memref_slice %arg5[%mul3A_58] : memref<2048xf32, #tpu.memory_space<hbm>> -> memref<64xf32, #tpu.memory_space<hbm>>
      tpu.enqueue_dma source(%arg10 : memref<64xf32, #tpu.memory_space<vmem>>) target(%dma_start3A_59 : memref<64xf32, #tpu.memory_space<hbm>>) target_semaphore(%run_scoped3A : memref<!tpu.dma_semaphore, #tpu.memory_space<semaphore_mem>>)
      %dma_wait3A = tpu.memref_slice %arg5[%mul3A_58] : memref<2048xf32, #tpu.memory_space<hbm>> -> memref<64xf32, #tpu.memory_space<hbm>>
      %dma_wait3A_60 = tpu.memref_slice %arg5[%mul3A_58] : memref<2048xf32, #tpu.memory_space<hbm>> -> memref<64xf32, #tpu.memory_space<hbm>>
      tpu.wait_dma2 semaphore(%run_scoped3A : memref<!tpu.dma_semaphore, #tpu.memory_space<semaphore_mem>>) src(%arg10 : memref<64xf32, #tpu.memory_space<vmem>>) dst(%dma_wait3A_60 : memref<64xf32, #tpu.memory_space<hbm>>)
      tpu.yield
    }) : () -> ()
    return
  }
}

module attributes {stable_mosaic.version = 14 : i64} {
  func.func @_tc_matmul_body(%arg0: i32, %arg1: memref<1024x768xf32, #tpu.memory_space<vmem>>, %arg2: memref<768x64xf32, #tpu.memory_space<vmem>>, %arg3: memref<1024x64xf32, #tpu.memory_space<vmem>>) attributes {dimension_semantics = [#tpu.dimension_semantics<arbitrary>], iteration_bounds = array<i64: 32>, scalar_prefetch = 0 : i64, scratch_operands = 0 : i64, tpu.core_type = #tpu.core_type<tc>, window_params = [{transform_indices = @transform_0, window_bounds = array<i64: 1024, 768>}, {pipeline_mode = #tpu.pipeline_mode<synchronous>, transform_indices = @transform_1, window_bounds = array<i64: 768, 64>}, {transform_indices = @transform_2, window_bounds = array<i64: 1024, 64>}]} {
    %get3A = arith.constant 0 : index
    %get3A_0 = arith.constant 0 : index
    %get3A_1 = vector.load %arg1[%get3A, %get3A_0] : memref<1024x768xf32, #tpu.memory_space<vmem>>, vector<1024x768xf32>
    %get3A_2 = arith.constant 0 : index
    %get3A_3 = arith.constant 0 : index
    %get3A_4 = vector.load %arg2[%get3A_2, %get3A_3] : memref<768x64xf32, #tpu.memory_space<vmem>>, vector<768x64xf32>
    %dot_general3A = arith.constant dense<0.000000e+00> : vector<1024x64xf32>
    %dot_general3A_5 = tpu.matmul %get3A_1, %get3A_4, %dot_general3A {dimension_numbers = #tpu.dot_dimension_numbers<[1], [0], [0], [1], [0, 0, 1, 1], [], []>, transpose_lhs_hint = false} : vector<1024x768xf32>, vector<768x64xf32>, vector<1024x64xf32> -> vector<1024x64xf32>
    %swap3A = arith.constant 0 : index
    %swap3A_6 = arith.constant 0 : index
    %swap3A_7 = vector.load %arg3[%swap3A, %swap3A_6] : memref<1024x64xf32, #tpu.memory_space<vmem>>, vector<1024x64xf32>
    tpu.vector_store %arg3[%swap3A, %swap3A_6], %dot_general3A_5 {strides = array<i32>} : memref<1024x64xf32, #tpu.memory_space<vmem>>, vector<1024x64xf32>,
    return
  }
  func.func @transform_0(%arg0: i32) -> (i32, i32) {
    %c0_i32 = arith.constant 0 : i32
    %c0_i32_0 = arith.constant 0 : i32
    return %arg0, %c0_i32 : i32, i32
  }
  func.func @transform_1(%arg0: i32) -> (i32, i32) {
    %c0_i32 = arith.constant 0 : i32
    %c0_i32_0 = arith.constant 0 : i32
    %c0_i32_1 = arith.constant 0 : i32
    return %c0_i32, %c0_i32_0 : i32, i32
  }
  func.func @transform_2(%arg0: i32) -> (i32, i32) {
    %c0_i32 = arith.constant 0 : i32
    %c0_i32_0 = arith.constant 0 : i32
    return %arg0, %c0_i32 : i32, i32
  }
}

</mosaic_0001>

<sc_bundles>
// kernel: kernel.4.cloned.1.call-start
scs
__scs_entry_jumppad:
0x0: {  	(pc) =	sbr.rel $0x88, $3  }
0x1: {  	(tag) =	ssettag $0x0;
	lr =	simm.s32 $0x1  }
0x2: {  	[smem:$0x3F9F] =	sst lr;
	_ =	strace $0xD0000000  }
0x3: {  	_ = 	snop  }
0x4: {  	_ = 	snop  }
0x5: {  	_ = 	snop  }
0x6: {  	_ = 	snop  }
0x7: {  	_ = 	snop  }
__scs_overlays_trampoline_lowered:
0x8: {  	[smem:$0x3FAE] =	sst s0  }
0x9: {  	[smem:$0x3FAF] =	sst s1  }
0xa: {  	[smem:$0x3FB0] =	sst s2  }
0xb: {  	[smem:$0x3FB1] =	sst s3  }
0xc: {  	[smem:$0x3FB2] =	sst s4  }
0xd: {  	[smem:$0x3FB3] =	sst s5  }
0xe: {  	[smem:$0x3FB4] =	sst s6  }
0xf: {  	[smem:$0x3FB5] =	sst s7  }
0x10: {  	[smem:$0x3FB6] =	sst s8  }
0x11: {  	[smem:$0x3FB7] =	sst s9;
	s0 =	simm.s32 @!p0 $0x0  }
0x12: {  	s1 =	sld [smem:$0x3F9D];
	s0 =	simm.s32 @p0 $0x1  }
0x13: {  	[smem:$0x3FB8] =	sst s0;
	s0 =	simm.s32 @!p1 $0x0  }
0x14: {  	s2 =	sld [smem:$0x3F9C];
	s0 =	simm.s32 @p1 $0x1  }
0x15: {  	[smem:$0x3FB9] =	sst s0;
	s0 =	simm.s32 @!p2 $0x0  }
0x16: {  	s3 =	sld [smem:$0x3FDB];
	s0 =	simm.s32 @p2 $0x1  }
0x17: {  	s4 =	simm.s32 $0x1BF5;
	[smem:$0x3FBB] =	sst s0  }
0x18: {  	s0 =	sld [smem:$0x3F9E];
	_ =	swait.ge [sflag:s4], $0x0  }
0x19: {  	s7 =	sld [smem:$0x3F9F]  }
0x1a: {  	s8 =	sadd.s32 $0xFFFFE003, lr  }
0x1b: {  	s9 =	sadd.s32 $0xFFFFFEF7, lr;
	s5 =	simm.s32 $0xFFFFFFFF;
	p2 =	slt.u32 s8, $0xFFFFF086  }
0x1c: {  	p1 =	slt.u32 s9, $0xF7A;
	s5 =	simm.s32 @!p2 $0x0  }
0x1d: {  	s5 =	simm.s32 @p1 $0x1;
	p0 =	seq.s32 s7, s2  }
0x1e: {  	s7 =	smul.u32 @!p0 $0xF7A, s2;
	p2 =	seq.s32 @!p0 s5, $0x0  }
0x1f: {  	s9 =	smul.u32 $0xF7A, s1;
	s8 =	simm.s32 @!p0 $0x1BF5;
	p2 =	por !p2, p0  }
0x20: {  	[sflag:s8] =	ssyncset.s32 @!p0 $0xFFFFF086;
	s6 =	sadd.s32 @!p0 s3, s7;
	s7 =	simm.s32 @!p0 $0x108  }
0x21: {  	s3 =	sadd.s32 s3, s9;
	s6 =	sadd.s32 @!p0 $0x88, s6;
	s7 =	simm.s32 @p2 $0x1082  }
0x22: {  	[simem:s7], [sflag:s8] =	dma.local @!p0 [hbm:s6], $0xF7A  }
0x23: {  	s9 =	sor.u32 $0xD0000000, s2;
	s6 =	simm.s32 $0x108;
	_ =	swait.ge @!p0 [sflag:s8], $0x0  }
0x24: {  	s3 =	sadd.s32 $0x88, s3;
	s6 =	simm.s32 @!p1 $0x1082;
	[sflag:s4] =	ssyncset.s32 $0xFFFFF086  }
0x25: {  	[simem:s6], [sflag:s4] =	dma.local [hbm:s3], $0xF7A  }
0x26: {  	[smem:$0x3F9F] =	sst s1;
	(tag) =	ssettag s2;
	_ =	strace s9  }
0x27: {  	s1 =	sld [smem:$0x3FAF]  }
0x28: {  	s2 =	sld [smem:$0x3FB0]  }
0x29: {  	s4 =	sld [smem:$0x3FB2]  }
0x2a: {  	p0 =	seq.s32 s5, $0x0;
	s5 =	sld [smem:$0x3FB3]  }
0x2b: {  	s6 =	sld [smem:$0x3FB4]  }
0x2c: {  	s7 =	sld [smem:$0x3FB5]  }
0x2d: {  	s3 =	simm.s32 $0x108;
	s8 =	sld [smem:$0x3FB6]  }
0x2e: {  	s3 =	simm.s32 @!p0 $0x1082;
	s9 =	sld [smem:$0x3FB7]  }
0x2f: {  	lr =	sadd.s32 s0, s3;
	s0 =	sld [smem:$0x3FAE]  }
0x30: {  	s3 =	sld [smem:$0x3FB1]  }
0x31: {  	[smem:$0x3FBA] =	sst s10  }
0x32: {  	s10 =	sld [smem:$0x3FB8];
	_ =	sdelay $0x3  }
0x33: {  	p0 =	seq.s32 s10, $0x1;
	s10 =	sld [smem:$0x3FBA];
	_ =	sdelay $0x3  }
0x34: {  	[smem:$0x3FBA] =	sst s10  }
0x35: {  	s10 =	sld [smem:$0x3FB9];
	_ =	sdelay $0x3  }
0x36: {  	p1 =	seq.s32 s10, $0x1;
	s10 =	sld [smem:$0x3FBA];
	_ =	sdelay $0x3  }
0x37: {  	[smem:$0x3FBA] =	sst s10  }
0x38: {  	s10 =	sld [smem:$0x3FBB]  }
0x39: {  	_ = 	snop;
	(pc) =	sbr.ind lr, $3  }
0x3a: {  	_ = 	snop  }
0x3b: {  	_ = 	snop  }
0x3c: {  	p2 =	seq.s32 s10, $0x1;
	s10 =	sld [smem:$0x3FBA]  }
0x3d: {  	_ =	shalt  }
0x3e: {  	_ =	shalt  }
0x3f: {  	_ =	shalt  }
0x40: {  	_ =	shalt  }
0x41: {  	_ =	shalt  }
0x42: {  	_ =	shalt  }
0x43: {  	_ =	shalt  }
0x44: {  	_ =	shalt  }
0x45: {  	_ =	shalt  }
0x46: {  	_ =	shalt  }
0x47: {  	_ =	shalt  }
0x48: {  	_ =	shalt  }
0x49: {  	_ =	shalt  }
0x4a: {  	_ =	shalt  }
0x4b: {  	_ =	shalt  }
0x4c: {  	_ =	shalt  }
0x4d: {  	_ =	shalt  }
0x4e: {  	_ =	shalt  }
0x4f: {  	_ =	shalt  }
0x50: {  	_ =	shalt  }
0x51: {  	_ =	shalt  }
0x52: {  	_ =	shalt  }
0x53: {  	_ =	shalt  }
0x54: {  	_ =	shalt  }
0x55: {  	_ =	shalt  }
0x56: {  	_ =	shalt  }
0x57: {  	_ =	shalt  }
0x58: {  	_ =	shalt  }
0x59: {  	_ =	shalt  }
0x5a: {  	_ =	shalt  }
0x5b: {  	_ =	shalt  }
0x5c: {  	_ =	shalt  }
0x5d: {  	_ =	shalt  }
0x5e: {  	_ =	shalt  }
0x5f: {  	_ =	shalt  }
0x60: {  	_ =	shalt  }
0x61: {  	_ =	shalt  }
0x62: {  	_ =	shalt  }
0x63: {  	_ =	shalt  }
0x64: {  	_ =	shalt  }
0x65: {  	_ =	shalt  }
0x66: {  	_ =	shalt  }
0x67: {  	_ =	shalt  }
0x68: {  	_ =	shalt  }
0x69: {  	_ =	shalt  }
0x6a: {  	_ =	shalt  }
0x6b: {  	_ =	shalt  }
0x6c: {  	_ =	shalt  }
0x6d: {  	_ =	shalt  }
0x6e: {  	_ =	shalt  }
0x6f: {  	_ =	shalt  }
0x70: {  	_ =	shalt  }
0x71: {  	_ =	shalt  }
0x72: {  	_ =	shalt  }
0x73: {  	_ =	shalt  }
0x74: {  	_ =	shalt  }
0x75: {  	_ =	shalt  }
0x76: {  	_ =	shalt  }
0x77: {  	_ =	shalt  }
0x78: {  	_ =	shalt  }
0x79: {  	_ =	shalt  }
0x7a: {  	_ =	shalt  }
0x7b: {  	_ =	shalt  }
0x7c: {  	_ =	shalt  }
0x7d: {  	_ =	shalt  }
0x7e: {  	_ =	shalt  }
0x7f: {  	_ =	shalt  }
0x80: {  	_ =	shalt  }
0x81: {  	_ =	shalt  }
0x82: {  	_ =	shalt  }
0x83: {  	_ =	shalt  }
0x84: {  	_ =	shalt  }
0x85: {  	_ =	shalt  }
0x86: {  	_ =	shalt  }
0x87: {  	_ =	shalt  }
.Lfunc_end0:
.L_simem_size_0:
called_computation_lowered:
.L_overlay_start_0:
0x88: {  	s2 =	sld [smem:$0x3FD9]  }
0x89: {  	s3 =	sld [smem:$0x3FFE];
	_ =	sdelay $0x1  }
0x8a: {  	s1 =	srdreg.scid  }
0x8b: {  	s0 =	sand.u32 $0x1, s1  }
0x8c: {  	s14 =	sshll.u32 s0, $0xA;
	s2 =	sadd.s32 s3, s2  }
0x8d: {  	s2 =	sadd.s32 s2, s14  }
0x8e: {  	[smem:$0x3FC6] =	sst s2  }
0x8f: {  	_ = 	snop  }
0x90: {  	s2 =	sld [smem:$0x3FD0];
	_ =	sdelay $0x2  }
0x91: {  	s15 =	simm.s32 $0xA;
	s4 =	simm.s32 $0x10  }
0x92: {  	[smem:s4], [sflag:s15] =	dma.local [hbm:s2], $0x1  }
0x93: {  	_ =	swait.eq [sflag:s15], $0x1  }
0x94: {  	[sflag:s15] =	ssyncset.done $0x0  }
0x95: {  	s16 =	sld [smem:$0x11];
	[sflag:s15] =	ssyncadd.s32 $0xFFFFFFFF  }
0x96: {  	s17 =	sld [smem:$0x12];
	(tm) =	ssettm $0x1  }
0x97: {  	s18 =	sld [smem:$0x3FFB];
	_ =	sdelay $0x3  }
0x98: {  	_ =	strace s18  }
0x99: {  	s4 =	sld [smem:$0x3FFC];
	_ =	sdelay $0x3  }
0x9a: {  	_ =	strace s4  }
0x9b: {  	s4 =	sld [smem:$0x3FFD];
	_ =	sdelay $0x3  }
0x9c: {  	_ =	strace s4  }
0x9d: {  	_ =	strace $0x8FFFFFFF  }
0x9e: {  	s19 =	sld [smem:$0x3FDB];
	_ =	sdelay $0x1  }
0x9f: {  	s5 =	simm.s32 $_scs_section_size  }
0xa0: {  	s6 =	simm.s32 $_size__tile_overlayer_lowered;
	s7 =	simm.s32 $_tile_overlayer_lowered  }
0xa1: {  	s22 =	simm.s32 $0x1BFF;
	s21 =	sshll.u32 s7, $0x1;
	s4 =	sadd.s32 s5, s19  }
0xa2: {  	s8 =	simm.s32 $0x0;
	s20 =	sshll.u32 s6, $0x1;
	s6 =	sadd.s32 s21, s4  }
0xa3: {  	[timem:s8], [sflag:s22] =	dma.local [hbm:s6], s20  }
0xa4: {  	_ =	swait.ge [sflag:s22], s20  }
0xa5: {  	s5 =	ssub.s32 $0x0, s20;
	[sflag:s22] =	ssyncset.done $0x0  }
0xa6: {  	[sflag:s22] =	ssyncadd.s32 s5;
	_ =	sdelay $0x1  }
0xa7: {  	s23 =	simm.s32 $0x1B8B  }
0xa8: {  	_ =	swait.ge [sflag:s23], $0x1  }
0xa9: {  	[sflag:s23] =	ssyncset.done $0x0  }
0xaa: {  	s25 =	simm.s32 $0x1B8E;
	s24 =	sld [smem:$0x3FFE];
	[sflag:s23] =	ssyncadd.s32 $0xFFFFFFFF  }
0xab: {  	s26 =	simm.s32 $execute0_lowered;
	[smem:$0x3FD2] =	sst s25  }
0xac: {  	s6 =	sshll.u32 s26, $0x1;
	_ =	strace $0x80000046;
	[dreg:$0x1] =	wrdreg $0xFFFFFFFF  }
0xad: {  	s28 =	simm.s32 $_size_execute0_lowered;
	s4 =	sadd.s32 s4, s6;
	[dreg:$0x0] =	wrdreg $0x0  }
0xae: {  	s6 =	sshll.u32 s28, $0x1;
	[dreg:$0x2] =	wrdreg s4  }
0xaf: {  	[dreg:$0x3] =	wrdreg s6  }
0xb0: {  	[dreg:$0x4] =	wrdreg $0xC0  }
0xb1: {  	_ =	task [dreg:s8], $0x5FFFF  }
0xb2: {  	[dreg:$0x1] =	wrdreg $0xFFFFFFFF  }
0xb3: {  	[dreg:$0x0] =	wrdreg $0x60  }
0xb4: {  	[dreg:$0x2] =	wrdreg s17  }
0xb5: {  	[dreg:$0x3] =	wrdreg s16  }
0xb6: {  	[dreg:$0x4] =	wrdreg s24  }
0xb7: {  	[dreg:$0x5] =	wrdreg $0x9  }
0xb8: {  	_ =	task.clear_ibuf [dreg:s8], $0x6FFFF;
	_ =	strace $0x90000046  }
0xb9: {  	s29 =	simm.s32 $0x9;
	_ =	strace $0x80000048  }
0xba: {  	_ =	swait.ge [sflag:s29], $0x1  }
0xbb: {  	[sflag:s29] =	ssyncadd.s32 $0xFFFFFFFF  }
0xbc: {  	_ =	strace $0x90000048  }
0xbd: {  	_ =	sfence  }
0xbe: {  	s30 =	sld [smem:$0x0];
	_ =	sdelay $0x2  }
0xbf: {  	s31 =	sshll.u32 s1, $0xD;
	s1 =	sshrl.u32 s1, $0x2  }
0xc0: {  	s3 =	sand.u32 $0x4000, s31;
	s1 =	sadd.s32 s1, s30  }
0xc1: {  	s0 =	sor.u32 s3, s0;
	s1 =	sshll.u32 s1, $0x11  }
0xc2: {  	s0 =	sor.u32 s1, s0  }
0xc3: {  	s0 =	sadd.s32 $0x8F2B, s0  }
0xc4: {  	[sflag:s0] =	ssyncadd.remote.s32 $0x1  }
0xc5: {  	_ =	sfence.sel $0xFFFF  }
0xc6: {  	[dreg:$0x0] =	wrdreg $0xFFFFFFFF;
	(pc) =	sbr.abs _section_cstart, $3  }
0xc7: {  	[dreg:$0x1] =	wrdreg $0xFFFFFFFF  }
0xc8: {  	_ =	task.clear_ibuf [dreg:s8], $0x2FFFF;
	_ =	strace $0x9FFFFFFF  }
0xc9: {  	(tm) =	ssettm $0x7FFFFFFF  }
tec
execute0_lowered:
.L_overlay_start_1:
0x0: {  	(tag) =	ssettag $0x1  }
0x1: {  	s1 =	rddreg [dreg:$0x0]  }
0x2: {  	s6 =	rddreg [dreg:$0x1]  }
0x3: {  	s5 =	rddreg [dreg:$0x2]  }
0x4: {  	s0 =	rddreg [dreg:$0x3];
	s4 =	srdreg.scid  }
0x5: {  	s2 =	stileid.u32;
	s3 =	simm.s32 $0x0;
	s10 =	simm.s32 $0x8000  }
0x6: {  	s11 =	simm.s32 $0x10000;
	s12 =	simm.s32 $0x10800;
	s13 =	simm.s32 $0x10C00  }
0x7: {  	s14 =	simm.s32 $0x0;
	s4 =	sand.u32 $0x1, s4;
	s7 =	sshll.u32 s2, $0x1  }
0x8: {  	[smem:$0x7FF] =	sst s3;
	s7 =	sor.u32 s4, s7;
	s9 =	ssub.s32 $0x2, s4  }
0x9: {  	s4 =	sadd.s32 $0xE00, s5;
	s8 =	sshll.u32 s7, $0x3;
	s31 =	sshrl.u32 s9, $0x1  }
0xa: {  	s8 =	sadd.s32 s8, s5;
	s5 =	sshll.u32 s7, $0xD;
	s7 =	sshll.u32 s7, $0x8  }
0xb: {  	v0 =	vimm.s32 $0x0;
	v1 =	vlaneseq.u32;
	_ =	strace $0x80000047;
	s9 =	ssub.s32 s9, s31;
	s6 =	sadd.s32 s6, s7  }
0xc: {  	v2 =	vimm.f32 $0.0e+00;
	v4 =	vimm.s32 $0x1;
	v3 =	vmul.u32 $0x40, v1;
	s7 =	sadd.s32 $0xC00, s8;
	s8 =	smax.u32 s9, $0x1;
	s9 =	simm.s32 $0x1  }
.LBB2_1:
0xd: {  	[tilespmem:$0x10800] =	vst v0  }
0xe: {  	[tilespmem:$0x10810] =	vst v0  }
0xf: {  	[tilespmem:$0x10820] =	vst v0  }
0x10: {  	[tilespmem:$0x10830] =	vst v0  }
0x11: {  	[tilespmem:$0x10840] =	vst v0  }
0x12: {  	[tilespmem:$0x10850] =	vst v0  }
0x13: {  	[tilespmem:$0x10860] =	vst v0  }
0x14: {  	[tilespmem:$0x10870] =	vst v0  }
0x15: {  	[tilespmem:$0x10880] =	vst v0  }
0x16: {  	[tilespmem:$0x10890] =	vst v0  }
0x17: {  	[tilespmem:$0x108A0] =	vst v0  }
0x18: {  	[tilespmem:$0x108B0] =	vst v0  }
0x19: {  	[tilespmem:$0x108C0] =	vst v0  }
0x1a: {  	[tilespmem:$0x108D0] =	vst v0  }
0x1b: {  	[tilespmem:$0x108E0] =	vst v0  }
0x1c: {  	[tilespmem:$0x108F0] =	vst v0  }
0x1d: {  	[tilespmem:$0x10900] =	vst v0  }
0x1e: {  	[tilespmem:$0x10910] =	vst v0  }
0x1f: {  	[tilespmem:$0x10920] =	vst v0  }
0x20: {  	[tilespmem:$0x10930] =	vst v0  }
0x21: {  	[tilespmem:$0x10940] =	vst v0  }
0x22: {  	[tilespmem:$0x10950] =	vst v0  }
0x23: {  	[tilespmem:$0x10960] =	vst v0  }
0x24: {  	[tilespmem:$0x10970] =	vst v0  }
0x25: {  	[tilespmem:$0x10980] =	vst v0  }
0x26: {  	[tilespmem:$0x10990] =	vst v0  }
0x27: {  	[tilespmem:$0x109A0] =	vst v0  }
0x28: {  	[tilespmem:$0x109B0] =	vst v0  }
0x29: {  	[tilespmem:$0x109C0] =	vst v0  }
0x2a: {  	[tilespmem:$0x109D0] =	vst v0  }
0x2b: {  	[tilespmem:$0x109E0] =	vst v0  }
0x2c: {  	[tilespmem:$0x109F0] =	vst v0  }
0x2d: {  	[tilespmem:$0x10A00] =	vst v0  }
0x2e: {  	[tilespmem:$0x10A10] =	vst v0  }
0x2f: {  	[tilespmem:$0x10A20] =	vst v0  }
0x30: {  	[tilespmem:$0x10A30] =	vst v0  }
0x31: {  	[tilespmem:$0x10A40] =	vst v0  }
0x32: {  	[tilespmem:$0x10A50] =	vst v0  }
0x33: {  	[tilespmem:$0x10A60] =	vst v0  }
0x34: {  	[tilespmem:$0x10A70] =	vst v0  }
0x35: {  	[tilespmem:$0x10A80] =	vst v0  }
0x36: {  	[tilespmem:$0x10A90] =	vst v0  }
0x37: {  	[tilespmem:$0x10AA0] =	vst v0  }
0x38: {  	[tilespmem:$0x10AB0] =	vst v0  }
0x39: {  	[tilespmem:$0x10AC0] =	vst v0  }
0x3a: {  	[tilespmem:$0x10AD0] =	vst v0  }
0x3b: {  	[tilespmem:$0x10AE0] =	vst v0  }
0x3c: {  	[tilespmem:$0x10AF0] =	vst v0  }
0x3d: {  	[tilespmem:$0x10B00] =	vst v0  }
0x3e: {  	[tilespmem:$0x10B10] =	vst v0  }
0x3f: {  	[tilespmem:$0x10B20] =	vst v0  }
0x40: {  	[tilespmem:$0x10B30] =	vst v0  }
0x41: {  	[tilespmem:$0x10B40] =	vst v0  }
0x42: {  	[tilespmem:$0x10B50] =	vst v0  }
0x43: {  	[tilespmem:$0x10B60] =	vst v0  }
0x44: {  	[tilespmem:$0x10B70] =	vst v0  }
0x45: {  	[tilespmem:$0x10B80] =	vst v0  }
0x46: {  	[tilespmem:$0x10B90] =	vst v0  }
0x47: {  	[tilespmem:$0x10BA0] =	vst v0  }
0x48: {  	[tilespmem:$0x10BB0] =	vst v0  }
0x49: {  	[tilespmem:$0x10BC0] =	vst v0  }
0x4a: {  	[tilespmem:$0x10BD0] =	vst v0  }
0x4b: {  	[tilespmem:$0x10BE0] =	vst v0  }
0x4c: {  	[tilespmem:$0x10BF0] =	vst v0;
	p1 =	por $0x1, $0x1;
	s16 =	simm.s32 $0x0  }
.LBB2_2:
0x4d: {  	s15 =	sshll.u32 s16, $0xC  }
0x4e: {  	s15 =	sor.u32 s5, s15  }
0x4f: {  	s17 =	sadd.s32 s1, s15  }
0x50: {  	[tilespmem:s3], [sflag:$0x1] =	stream.linear.gather [hbm4b:s17+s3], $0x8000, $0x38;
	[tilespmem:$0x10C80] =	vst v63  }
0x51: {  	_ =	swait.ge [sflag:s9], $0x8000  }
0x52: {  	[sflag:s9] =	ssyncset.done $0x0  }
0x53: {  	s17 =	simm.s32 $0x8040;
	[sflag:s9] =	ssyncadd.s32 $0xFFFF8000  }
0x54: {  	[tilespmem:s17+$0xFFFFFFC0] =	vst v2  }
0x55: {  	[tilespmem:s17+$0x30] =	vst v2  }
0x56: {  	[tilespmem:s17+$0x20] =	vst v2  }
0x57: {  	[tilespmem:s17+$0x10] =	vst v2  }
0x58: {  	[tilespmem:s17+$0x0] =	vst v2  }
0x59: {  	[tilespmem:s17+$0xFFFFFFF0] =	vst v2  }
0x5a: {  	p0 =	por p1, p1;
	s18 =	simm.s32 $0x0;
	[tilespmem:s17+$0xFFFFFFE0] =	vst v2  }
.LBB2_3:
0x5b: {  	s18 =	sadd.s32 $0x8, s18;
	[tilespmem:s17+$0xFFFFFFD0] =	vst v2;
	s17 =	sadd.s32 $0x80, s17  }
0x5c: {  	[tilespmem:s17+$0xFFFFFFC0] =	vst v2;
	p1 =	slt.u32 s18, $0x7F8  }
0x5d: {  	[tilespmem:s17+$0x30] =	vst v2  }
.Ltmp0:
0x5e: {  	[tilespmem:s17+$0x20] =	vst v2;
	(pc) =	sbr.rel @p1 .LBB2_3-.Ltmp0, $4  }
0x5f: {  	[tilespmem:s17+$0x10] =	vst v2  }
0x60: {  	[tilespmem:s17+$0x0] =	vst v2  }
0x61: {  	[tilespmem:s17+$0xFFFFFFF0] =	vst v2  }
0x62: {  	[tilespmem:s17+$0xFFFFFFE0] =	vst v2  }
0x63: {  	s16 =	sshll.u32 s16, $0x9  }
0x64: {  	[tilespmem:s17+$0xFFFFFFD0] =	vst v2;
	s17 =	simm.s32 $0x0;
	v5 =	vor.u32 s16, v1;
	s16 =	simm.s32 $0x0  }
.LBB2_5:
0x65: {  	s18 =	sshll.u32 s17, $0x4  }
0x66: {  	v6 =	vmov s18  }
0x67: {  	v7 =	vshll.u32 v6, $0x6  }
0x68: {  	v7 =	vor.u32 v3, v7  }
0x69: {  	v8 =	vor.u32 s16, v7;
	_ =	sdelay $0x1  }
0x6a: {  	s31 =	simm.s32 $0x1  }
0x6b: {  	v9 =	vor.u32 s31, v7;
	_ =	sdelay $0x1  }
0x6c: {  	s22 =	simm.s32 $0x2;
	v8 =	vld.idx.msk [tilespmem:v8+s3+$0x0], $0xffff  }
0x6d: {  	v10 =	vor.u32 s22, v7;
	_ =	sdelay $0x1  }
0x6e: {  	s23 =	simm.s32 $0x3;
	v9 =	vld.idx.msk [tilespmem:v9+s3+$0x0], $0xffff  }
0x6f: {  	v11 =	vimm.f32 $-Inf;
	v12 =	vor.u32 s23, v7  }
0x70: {  	vm0 =	vgt.f32 v8, v11  }
0x71: {  	v13 =	vimm.s32 $0x0;
	s19 =	simm.s32 $0x4;
	v14 =	vld.idx.msk [tilespmem:v10+s3+$0x0], $0xffff;
	v8 =	vsel vm0, v8, v11  }
0x72: {  	s20 =	simm.s32 $0x5;
	v10 =	vor.u32 s19, v7;
	v15 =	vsel vm0, s16, v13;
	v11 =	vsel vm0, v11, v8  }
0x73: {  	v16 =	vor.u32 s20, v7;
	v13 =	vsel vm0, v13, v15;
	vm0 =	vgt.f32 v9, v11  }
0x74: {  	v17 =	vld.idx.msk [tilespmem:v12+s3+$0x0], $0xffff;
	vm1 =	vgt.f32 v9, v8;
	v11 =	vsel vm0, v9, v11;
	v12 =	vsel vm0, s31, v13  }
0x75: {  	s21 =	simm.s32 $0x6;
	v13 =	vsel vm1, s31, v15;
	v11 =	vsel vm1, v8, v11;
	v12 =	vsel vm1, v15, v12  }
0x76: {  	v8 =	vsel vm1, v9, v8;
	v9 =	vor.u32 s21, v7;
	vm0 =	vgt.f32 v14, v11  }
0x77: {  	v10 =	vld.idx.msk [tilespmem:v10+s3+$0x0], $0xffff;
	vm1 =	vgt.f32 v14, v8;
	v11 =	vsel vm0, v14, v11;
	v12 =	vsel vm0, s22, v12  }
0x78: {  	v15 =	vsel vm1, s22, v13;
	s22 =	simm.s32 $0x7;
	v18 =	vsel vm1, v14, v8;
	v11 =	vsel vm1, v8, v11  }
0x79: {  	v12 =	vsel vm1, v13, v12;
	v13 =	vor.u32 s22, v7;
	vm0 =	vgt.f32 v17, v11  }
0x7a: {  	s18 =	simm.s32 $0x8;
	vm1 =	vgt.f32 v17, v18;
	v8 =	vsel vm0, v17, v11;
	v11 =	vsel vm0, s23, v12;
	v12 =	vld.idx.msk [tilespmem:v16+s3+$0x0], $0xffff  }
0x7b: {  	v14 =	vor.u32 s18, v7;
	v19 =	vsel vm1, v18, v8;
	v20 =	vsel vm1, v15, v11  }
0x7c: {  	v8 =	vsel vm1, s23, v15;
	v15 =	vsel vm1, v17, v18;
	vm1 =	vgt.f32 v10, v19  }
0x7d: {  	v11 =	vld.idx.msk [tilespmem:v9+s3+$0x0], $0xffff;
	s23 =	simm.s32 $0x10;
	vm0 =	vgt.f32 v10, v15;
	v16 =	vsel vm1, v10, v19;
	v9 =	vsel vm1, s19, v20  }
.LBB2_6:
0x7e: {  	p1 =	slt.u32 s23, $0x38;
	s25 =	sadd.s32 $0x1, s18;
	v16 =	vsel vm0, v15, v16;
	v9 =	vsel vm0, v8, v9;
	v8 =	vsel vm0, s19, v8  }
0x7f: {  	v10 =	vsel vm0, v10, v15;
	v17 =	vor.u32 s25, v7;
	vm0 =	vgt.f32 v12, v16;
	v13 =	vld.idx.msk [tilespmem:v13+s3+$0x0], $0xffff  }
0x80: {  	vm1 =	vgt.f32 v12, v10;
	v15 =	vsel vm0, v12, v16;
	v9 =	vsel vm0, s20, v9  }
0x81: {  	s26 =	sadd.s32 $0x2, s18;
	v15 =	vsel vm1, v10, v15;
	v9 =	vsel vm1, v8, v9;
	v8 =	vsel vm1, s20, v8  }
0x82: {  	v16 =	vor.u32 s26, v7;
	v10 =	vsel vm1, v12, v10;
	v14 =	vld.idx.msk [tilespmem:v14+s3+$0x0], $0xffff;
	vm0 =	vgt.f32 v11, v15  }
0x83: {  	vm1 =	vgt.f32 v11, v10;
	v12 =	vsel vm0, v11, v15;
	v9 =	vsel vm0, s21, v9  }
0x84: {  	s24 =	sadd.s32 $0x3, s18;
	v12 =	vsel vm1, v10, v12;
	v9 =	vsel vm1, v8, v9;
	v8 =	vsel vm1, s21, v8  }
0x85: {  	v10 =	vsel vm1, v11, v10;
	v15 =	vld.idx.msk [tilespmem:v17+s3+$0x0], $0xffff;
	v17 =	vor.u32 s24, v7;
	vm0 =	vgt.f32 v13, v12  }
0x86: {  	vm1 =	vgt.f32 v13, v10;
	v11 =	vsel vm0, v13, v12;
	v9 =	vsel vm0, s22, v9  }
0x87: {  	s19 =	sadd.s32 $0x4, s18;
	v11 =	vsel vm1, v10, v11;
	v9 =	vsel vm1, v8, v9;
	v10 =	vsel vm1, v13, v10  }
0x88: {  	v13 =	vor.u32 s19, v7;
	v8 =	vsel vm1, s22, v8;
	vm0 =	vgt.f32 v14, v11;
	v12 =	vld.idx.msk [tilespmem:v16+s3+$0x0], $0xffff  }
0x89: {  	vm1 =	vgt.f32 v14, v10;
	v11 =	vsel vm0, v14, v11;
	v9 =	vsel vm0, s18, v9  }
0x8a: {  	s20 =	sadd.s32 $0x5, s18;
	v11 =	vsel vm1, v10, v11;
	v9 =	vsel vm1, v8, v9;
	v8 =	vsel vm1, s18, v8  }
0x8b: {  	v10 =	vsel vm1, v14, v10;
	v14 =	vor.u32 s20, v7;
	vm0 =	vgt.f32 v15, v11;
	v16 =	vld.idx.msk [tilespmem:v17+s3+$0x0], $0xffff  }
0x8c: {  	vm1 =	vgt.f32 v15, v10;
	v11 =	vsel vm0, v15, v11;
	v9 =	vsel vm0, s25, v9  }
0x8d: {  	s21 =	sadd.s32 $0x6, s18;
	v11 =	vsel vm1, v10, v11;
	v9 =	vsel vm1, v8, v9;
	v8 =	vsel vm1, s25, v8  }
0x8e: {  	v17 =	vor.u32 s21, v7;
	v15 =	vsel vm1, v15, v10;
	vm0 =	vgt.f32 v12, v11;
	v10 =	vld.idx.msk [tilespmem:v13+s3+$0x0], $0xffff  }
0x8f: {  	vm1 =	vgt.f32 v12, v15;
	v11 =	vsel vm0, v12, v11;
	v9 =	vsel vm0, s26, v9  }
0x90: {  	s22 =	sadd.s32 $0x7, s18;
	s18 =	smov.u32 s23;
	v11 =	vsel vm1, v15, v11;
	v9 =	vsel vm1, v8, v9;
	v8 =	vsel vm1, s26, v8  }
.Ltmp1:
0x91: {  	v13 =	vor.u32 s22, v7;
	v15 =	vsel vm1, v12, v15;
	vm0 =	vgt.f32 v16, v11;
	v12 =	vld.idx.msk [tilespmem:v14+s3+$0x0], $0xffff;
	(pc) =	sbr.rel @p1 .LBB2_6-.Ltmp1, $4  }
0x92: {  	vm1 =	vgt.f32 v16, v15;
	v11 =	vsel vm0, v16, v11;
	v9 =	vsel vm0, s24, v9  }
0x93: {  	v18 =	vsel vm1, v15, v11;
	v9 =	vsel vm1, v8, v9;
	v8 =	vsel vm1, s24, v8  }
0x94: {  	v14 =	vor.u32 s23, v7;
	v15 =	vsel vm1, v16, v15;
	vm1 =	vgt.f32 v10, v18;
	v11 =	vld.idx.msk [tilespmem:v17+s3+$0x0], $0xffff  }
0x95: {  	s23 =	sadd.s32 $0x8, s23;
	vm0 =	vgt.f32 v10, v15;
	v16 =	vsel vm1, v10, v18;
	v9 =	vsel vm1, s19, v9  }
0x96: {  	_ =	sdelay $0x1  }
0x97: {  	v16 =	vsel vm0, v15, v16  }
0x98: {  	v10 =	vsel vm0, v10, v15;
	v22 =	vimm.s32 $0x0;
	vm1 =	vgt.f32 v12, v16  }
0x99: {  	s23 =	sadd.s32 $0x1, s18;
	v13 =	vld.idx.msk [tilespmem:v13+s3+$0x0], $0xffff;
	vm7 =	vgt.f32 v12, v10;
	v15 =	vsel vm1, $0xFFFFFFFF, v22;
	v23 =	vsel vm1, v12, v16  }
0x9a: {  	v24 =	vor.u32 s23, v7;
	[tilespmem:$0x1FF90] =	vst v15;
	v15 =	vsel vm7, v10, v23  }
0x9b: {  	v10 =	vsel vm7, v12, v10;
	vm11 =	vgt.f32 v11, v15  }
0x9c: {  	s24 =	sadd.s32 $0x2, s18;
	v26 =	vld.idx.msk [tilespmem:v14+s3+$0x0], $0xffff;
	vm5 =	vgt.f32 v11, v10;
	v27 =	vsel vm11, v11, v15  }
0x9d: {  	v28 =	vor.u32 s24, v7;
	v14 =	vsel vm5, v10, v27  }
0x9e: {  	v10 =	vsel vm5, v11, v10;
	vm12 =	vgt.f32 v13, v14  }
0x9f: {  	s25 =	sadd.s32 $0x3, s18;
	v30 =	vld.idx.msk [tilespmem:v24+s3+$0x0], $0xffff;
	vm6 =	vgt.f32 v13, v10;
	v14 =	vsel vm12, v13, v14  }
0xa0: {  	v31 =	vor.u32 s25, v7;
	v14 =	vsel vm6, v10, v14  }
0xa1: {  	v10 =	vsel vm6, v13, v10;
	vm13 =	vgt.f32 v26, v14  }
0xa2: {  	s26 =	sadd.s32 $0x4, s18;
	v33 =	vld.idx.msk [tilespmem:v28+s3+$0x0], $0xffff;
	vm8 =	vgt.f32 v26, v10;
	v14 =	vsel vm13, v26, v14  }
0xa3: {  	v25 =	vimm.s32 $0x0;
	v34 =	vor.u32 s26, v7;
	v14 =	vsel vm8, v10, v14  }
0xa4: {  	v29 =	vimm.s32 $0x0;
	v10 =	vsel vm8, v26, v10;
	vm14 =	vgt.f32 v30, v14  }
0xa5: {  	v32 =	vimm.s32 $0x0;
	s28 =	sadd.s32 $0x5, s18;
	v36 =	vld.idx.msk [tilespmem:v31+s3+$0x0], $0xffff;
	vm10 =	vgt.f32 v30, v10;
	v14 =	vsel vm14, v30, v14  }
0xa6: {  	v35 =	vimm.s32 $0x0;
	v37 =	vor.u32 s28, v7;
	v14 =	vsel vm10, v10, v14  }
0xa7: {  	v38 =	vimm.s32 $0x0;
	v10 =	vsel vm10, v30, v10;
	vm15 =	vgt.f32 v33, v14  }
0xa8: {  	s29 =	sadd.s32 $0x6, s18;
	v12 =	vsel vm11, $0xFFFFFFFF, v25;
	v39 =	vld.idx.msk [tilespmem:v34+s3+$0x0], $0xffff;
	vm11 =	vgt.f32 v33, v10;
	v14 =	vsel vm15, v33, v14  }
0xa9: {  	v41 =	vimm.s32 $0x0;
	s30 =	sadd.s32 $0x7, s18;
	v40 =	vor.u32 s29, v7;
	v14 =	vsel vm11, v10, v14  }
0xaa: {  	v43 =	vor.u32 s30, v7;
	v10 =	vsel vm11, v33, v10;
	vm4 =	vgt.f32 v36, v14  }
0xab: {  	[tilespmem:$0x1FFA0] =	vst v12;
	v42 =	vld.idx.msk [tilespmem:v37+s3+$0x0], $0xffff;
	v12 =	vsel vm14, $0xFFFFFFFF, v35;
	vm14 =	vgt.f32 v36, v10;
	v14 =	vsel vm4, v36, v14  }
0xac: {  	v11 =	vsel vm12, $0xFFFFFFFF, v29;
	v13 =	vsel vm13, $0xFFFFFFFF, v32;
	v14 =	vsel vm14, v10, v14  }
0xad: {  	[tilespmem:$0x1FFB0] =	vst v11;
	v11 =	vsel vm15, $0xFFFFFFFF, v38;
	v10 =	vsel vm14, v36, v10;
	vm15 =	vgt.f32 v39, v14  }
0xae: {  	v44 =	vld.idx.msk [tilespmem:v40+s3+$0x0], $0xffff;
	[tilespmem:$0x1FFC0] =	vst v13;
	v13 =	vsel vm4, $0xFFFFFFFF, v41;
	vm4 =	vgt.f32 v39, v10;
	v14 =	vsel vm15, v39, v14  }
0xaf: {  	v14 =	vsel vm4, v10, v14  }
0xb0: {  	v10 =	vsel vm4, v39, v10;
	vm13 =	vgt.f32 v42, v14  }
0xb1: {  	v45 =	vld.idx.msk [tilespmem:v43+s3+$0x0], $0xffff;
	vm3 =	vgt.f32 v42, v10;
	v14 =	vsel vm13, v42, v14  }
0xb2: {  	v14 =	vsel vm3, v10, v14  }
0xb3: {  	v10 =	vsel vm3, v42, v10;
	vm12 =	vgt.f32 v44, v14  }
0xb4: {  	vm2 =	vgt.f32 v44, v10;
	v46 =	vsel vm12, v44, v14  }
0xb5: {  	v49 =	vld [tilespmem:$0x1FF90];
	[tilespmem:$0x1FFF0] =	vst v13;
	v13 =	vsel vm2, v10, v46  }
0xb6: {  	v10 =	vsel vm2, v44, v10;
	vm9 =	vgt.f32 v45, v13  }
0xb7: {  	v50 =	vld [tilespmem:$0x1FFA0];
	vm1 =	vgt.f32 v45, v10;
	v47 =	vsel vm9, v45, v13  }
0xb8: {  	[tilespmem:$0x1FFD0] =	vst v12;
	v12 =	vsel vm1, v10, v47;
	v10 =	vsel vm1, v45, v10  }
0xb9: {  	v51 =	vld [tilespmem:$0x1FFB0];
	v10 =	vsub.f32 v12, v10  }
0xba: {  	v9 =	vsel vm0, v8, v9;
	v48 =	vsel vm0, s19, v8;
	vm0 =	vnez.u8 v49  }
0xbb: {  	v9 =	vsel vm0, s20, v9;
	v52 =	vld [tilespmem:$0x1FFC0];
	v10 =	vmul.f32 $1.442695020e+00, v10  }
0xbc: {  	v8 =	vsel vm7, s20, v48;
	v9 =	vsel vm7, v48, v9;
	vm7 =	vnez.u8 v50  }
0xbd: {  	v9 =	vsel vm7, s21, v9;
	v53 =	vld [tilespmem:$0x1FFD0];
	(erf) = vpow2.f32 v10  }
0xbe: {  	v9 =	vsel vm5, v8, v9;
	v8 =	vsel vm5, s21, v8;
	vm5 =	vnez.u8 v51;
	[tilespmem:$0x1FFE0] =	vst v11  }
0xbf: {  	v9 =	vsel vm5, s22, v9;
	v54 =	vld [tilespmem:$0x1FFE0]  }
0xc0: {  	v9 =	vsel vm6, v8, v9;
	vm7 =	vnez.u8 v52  }
0xc1: {  	v8 =	vsel vm6, s22, v8;
	v9 =	vsel vm7, s18, v9  }
0xc2: {  	v9 =	vsel vm8, v8, v9;
	v8 =	vsel vm8, s18, v8;
	vm8 =	vnez.u8 v53;
	v57 =	vld [tilespmem:$0x1FFF0]  }
0xc3: {  	v9 =	vsel vm8, s23, v9  }
0xc4: {  	v9 =	vsel vm10, v8, v9;
	v8 =	vsel vm10, s23, v8;
	vm10 =	vnez.u8 v54  }
0xc5: {  	v9 =	vsel vm10, s24, v9  }
0xc6: {  	v9 =	vsel vm11, v8, v9;
	v55 =	vpop (erf)  }
0xc7: {  	v8 =	vsel vm11, s24, v8;
	vm11 =	vnez.u8 v57;
	v56 =	vadd.f32 $1.000000000e+00, v55  }
0xc8: {  	v9 =	vsel vm11, s25, v9  }
0xc9: {  	v9 =	vsel vm14, v8, v9;
	(erf) = vrcp.f32 v56  }
0xca: {  	v8 =	vsel vm14, s25, v8;
	v9 =	vsel vm15, s26, v9  }
0xcb: {  	v9 =	vsel vm4, v8, v9  }
0xcc: {  	v8 =	vsel vm4, s26, v8;
	v9 =	vsel vm13, s28, v9  }
0xcd: {  	v9 =	vsel vm3, v8, v9  }
0xce: {  	v8 =	vsel vm3, s28, v8;
	v9 =	vsel vm12, s29, v9  }
0xcf: {  	v9 =	vsel vm2, v8, v9;
	v8 =	vsel vm2, s29, v8  }
0xd0: {  	v9 =	vsel vm9, s30, v9;
	v58 =	vsel vm1, s30, v8  }
0xd1: {  	v8 =	vsel vm1, v8, v9;
	v59 =	vadd.s32 v7, v58  }
0xd2: {  	v6 =	vor.u32 v5, v6;
	v7 =	vadd.s32 v7, v8;
	v60 =	vpop (erf)  }
0xd3: {  	v6 =	vshll.u32 v6, $0x1;
	v10 =	vmul.f32 v60, v55  }
0xd4: {  	v61 =	vor.u32 $0x1, v6  }
0xd5: {  	s17 =	sadd.s32 $0x1, s17;
	v62 =	vadd.s32 v3, v58;
	vm15 =	vgt.f32 v10, $0.0e+00  }
0xd6: {  	p1 =	sne.s32 s17, $0x20;
	v63 =	vadd.s32 v3, v8;
	[tilespmem:v59+s10+$0x0] =	vst.idx.msk $0xffff, v60  }
.Ltmp2:
0xd7: {  	[tilespmem:v7+s10+$0x0] =	vst.idx.msk $0xffff, v10;
	(pc) =	sbr.rel @p1 .LBB2_5-.Ltmp2, $4  }
0xd8: {  	[tilespmem:v6+s11+$0x0] =	vst.idx.msk $0xffff, v58  }
0xd9: {  	[tilespmem:v61+s11+$0x0] =	vst.idx.msk $0xffff, v8  }
0xda: {  	[tilespmem:v62+s12+$0x0] =	vst.idx.add.s32.msk $0xffff, v4  }
0xdb: {  	[tilespmem:v63+s12+$0x0] =	vst.idx.add.s32.msk vm15, v4  }
.Ltmp3:
0xdc: {  	s15 =	sadd.s32 s4, s15;
	s16 =	simm.s32 $0x1;
	(pc) =	sbr.rel @p0 .LBB2_2-.Ltmp3, $4  }
0xdd: {  	[hbm4b:s15+s3] =	stream.linear.scatter [tilespmem:s10], [sflag:$0x1], $0x8000, $0x38;
	[tilespmem:$0x10C80] =	vst v63  }
0xde: {  	_ =	swait.ge [sflag:s16], $0x8000  }
0xdf: {  	[sflag:s16] =	ssyncset.done $0x0  }
0xe0: {  	p1 =	por $0x0, $0x0;
	[sflag:s16] =	ssyncadd.s32 $0xFFFF8000  }
0xe1: {  	[hbm4b:s6+s3] =	stream.linear.scatter [tilespmem:s11], [sflag:$0x1], $0x800, $0x38;
	[tilespmem:$0x10C80] =	vst v63  }
0xe2: {  	_ =	swait.ge [sflag:s9], $0x800  }
0xe3: {  	[sflag:s9] =	ssyncset.done $0x0  }
0xe4: {  	[sflag:s9] =	ssyncadd.s32 $0xFFFFF800  }
0xe5: {  	v5 =	vld [tilespmem:$0x10800]  }
0xe6: {  	v6 =	vld [tilespmem:$0x10840]  }
0xe7: {  	v7 =	vld [tilespmem:$0x10880]  }
0xe8: {  	v8 =	vld [tilespmem:$0x108C0]  }
0xe9: {  	v9 =	vld [tilespmem:$0x10900]  }
0xea: {  	v10 =	vld [tilespmem:$0x10940]  }
0xeb: {  	v11 =	vld [tilespmem:$0x10980]  }
0xec: {  	v12 =	vld [tilespmem:$0x109C0]  }
0xed: {  	v13 =	vld [tilespmem:$0x10A00]  }
0xee: {  	v14 =	vld [tilespmem:$0x10A40]  }
0xef: {  	v15 =	vld [tilespmem:$0x10A80]  }
0xf0: {  	v16 =	vld [tilespmem:$0x10AC0]  }
0xf1: {  	v17 =	vld [tilespmem:$0x10B00]  }
0xf2: {  	v18 =	vld [tilespmem:$0x10B40]  }
0xf3: {  	v19 =	vld [tilespmem:$0x10B80]  }
0xf4: {  	v20 =	vld [tilespmem:$0x10BC0]  }
0xf5: {  	v21 =	vld [tilespmem:$0x10810]  }
0xf6: {  	v22 =	vld [tilespmem:$0x10850]  }
0xf7: {  	v23 =	vld [tilespmem:$0x10890]  }
0xf8: {  	v24 =	vld [tilespmem:$0x108D0]  }
0xf9: {  	v25 =	vld [tilespmem:$0x10910]  }
0xfa: {  	v26 =	vld [tilespmem:$0x10950]  }
0xfb: {  	v27 =	vld [tilespmem:$0x10990]  }
0xfc: {  	v28 =	vld [tilespmem:$0x109D0]  }
0xfd: {  	v29 =	vld [tilespmem:$0x10A10]  }
0xfe: {  	v30 =	vld [tilespmem:$0x10A50]  }
0xff: {  	v31 =	vld [tilespmem:$0x10A90]  }
0x100: {  	v32 =	vld [tilespmem:$0x10AD0]  }
0x101: {  	v33 =	vld [tilespmem:$0x10B10]  }
0x102: {  	v34 =	vld [tilespmem:$0x10B50]  }
0x103: {  	v35 =	vld [tilespmem:$0x10B90]  }
0x104: {  	v36 =	vld [tilespmem:$0x10BD0]  }
0x105: {  	v37 =	vld [tilespmem:$0x10820]  }
0x106: {  	v38 =	vld [tilespmem:$0x10860]  }
0x107: {  	v39 =	vld [tilespmem:$0x108A0]  }
0x108: {  	v40 =	vld [tilespmem:$0x108E0]  }
0x109: {  	v41 =	vld [tilespmem:$0x10920]  }
0x10a: {  	v42 =	vld [tilespmem:$0x10960]  }
0x10b: {  	v43 =	vld [tilespmem:$0x109A0]  }
0x10c: {  	v59 =	vld [tilespmem:$0x10A60]  }
0x10d: {  	v60 =	vld [tilespmem:$0x10AA0];
	v5 =	vadd.s32 v6, v5  }
0x10e: {  	v61 =	vld [tilespmem:$0x10AE0];
	v5 =	vadd.s32 v7, v5  }
0x10f: {  	v62 =	vld [tilespmem:$0x10B20];
	v5 =	vadd.s32 v8, v5  }
0x110: {  	v63 =	vld [tilespmem:$0x10830];
	v5 =	vadd.s32 v9, v5  }
0x111: {  	v44 =	vld [tilespmem:$0x10870];
	v5 =	vadd.s32 v10, v5  }
0x112: {  	v45 =	vld [tilespmem:$0x108B0];
	v5 =	vadd.s32 v11, v5  }
0x113: {  	v47 =	vld [tilespmem:$0x108F0];
	v5 =	vadd.s32 v12, v5  }
0x114: {  	v48 =	vld [tilespmem:$0x10930];
	v5 =	vadd.s32 v5, v13  }
0x115: {  	v50 =	vld [tilespmem:$0x10970];
	v5 =	vadd.s32 v14, v5  }
0x116: {  	v51 =	vld [tilespmem:$0x109B0];
	v5 =	vadd.s32 v15, v5  }
0x117: {  	v52 =	vld [tilespmem:$0x109F0];
	v5 =	vadd.s32 v16, v5  }
0x118: {  	v53 =	vld [tilespmem:$0x10A30];
	v46 =	vadd.s32 v22, v21;
	v5 =	vadd.s32 v17, v5  }
0x119: {  	v54 =	vld [tilespmem:$0x10A70];
	v49 =	vadd.s32 v38, v37;
	v15 =	vadd.s32 v44, v63;
	v5 =	vadd.s32 v18, v5  }
0x11a: {  	v55 =	vld [tilespmem:$0x10AB0];
	v15 =	vadd.s32 v45, v15;
	v18 =	vadd.s32 v23, v46;
	v5 =	vadd.s32 v19, v5  }
0x11b: {  	v6 =	vld [tilespmem:$0x109E0];
	v18 =	vadd.s32 v24, v18;
	v5 =	vadd.s32 v20, v5;
	v20 =	vadd.s32 v39, v49  }
0x11c: {  	v7 =	vld [tilespmem:$0x10A20];
	v15 =	vadd.s32 v47, v15;
	v18 =	vadd.s32 v25, v18;
	v20 =	vadd.s32 v40, v20  }
0x11d: {  	v56 =	vld [tilespmem:$0x10AF0];
	v15 =	vadd.s32 v48, v15;
	v18 =	vadd.s32 v26, v18;
	v20 =	vadd.s32 v41, v20  }
0x11e: {  	v57 =	vld [tilespmem:$0x10B30];
	v15 =	vadd.s32 v50, v15;
	v18 =	vadd.s32 v27, v18;
	v20 =	vadd.s32 v42, v20  }
0x11f: {  	v12 =	vld [tilespmem:$0x10B60];
	v15 =	vadd.s32 v51, v15;
	v18 =	vadd.s32 v28, v18;
	v20 =	vadd.s32 v43, v20  }
0x120: {  	v13 =	vld [tilespmem:$0x10BA0];
	v5 =	vcvt.s32.f32 v5;
	v18 =	vadd.s32 v18, v29;
	v6 =	vadd.s32 v6, v20  }
0x121: {  	v14 =	vld [tilespmem:$0x10BE0];
	v18 =	vadd.s32 v30, v18;
	v6 =	vadd.s32 v6, v7;
	v7 =	vadd.s32 v52, v15  }
0x122: {  	v18 =	vadd.s32 v31, v18;
	v6 =	vadd.s32 v59, v6;
	v7 =	vadd.s32 v7, v53;
	v59 =	vld [tilespmem:$0x10B70]  }
0x123: {  	v58 =	vadd.s32 v32, v18;
	v6 =	vadd.s32 v60, v6;
	v7 =	vadd.s32 v54, v7;
	v60 =	vld [tilespmem:$0x10BB0]  }
0x124: {  	v17 =	vadd.s32 v33, v58;
	v6 =	vadd.s32 v61, v6;
	v7 =	vadd.s32 v55, v7;
	v61 =	vld [tilespmem:$0x10BF0]  }
0x125: {  	v17 =	vadd.s32 v34, v17;
	v6 =	vadd.s32 v62, v6;
	v7 =	vadd.s32 v56, v7  }
0x126: {  	v17 =	vadd.s32 v35, v17;
	v6 =	vadd.s32 v12, v6;
	v7 =	vadd.s32 v57, v7  }
0x127: {  	v62 =	vadd.s32 v36, v17;
	v6 =	vadd.s32 v13, v6;
	v7 =	vadd.s32 v59, v7  }
0x128: {  	v63 =	vcvt.s32.f32 v62;
	v6 =	vadd.s32 v14, v6;
	v7 =	vadd.s32 v60, v7  }
0x129: {  	[tilespmem:$0x10C00] =	vst v5;
	v5 =	vadd.s32 v61, v7;
	v6 =	vcvt.s32.f32 v6  }
0x12a: {  	s14 =	sadd.s32 $0x1, s14;
	[tilespmem:$0x10C10] =	vst v63;
	v5 =	vcvt.s32.f32 v5  }
0x12b: {  	p0 =	sne.s32 s14, s8;
	[tilespmem:$0x10C20] =	vst v6  }
.Ltmp4:
0x12c: {  	[tilespmem:$0x10C30] =	vst v5;
	(pc) =	sbr.rel @p0 .LBB2_1-.Ltmp4, $4  }
0x12d: {  	[hbm4b:s7+s3] =	stream.linear.scatter [tilespmem:s13], [sflag:$0x1], $0x40, $0x38;
	[tilespmem:$0x10C80] =	vst v63  }
0x12e: {  	_ =	swait.ge [sflag:s9], $0x40  }
0x12f: {  	[sflag:s9] =	ssyncset.done $0x0  }
0x130: {  	[sflag:s9] =	ssyncadd.s32 $0xFFFFFFC0  }
0x131: {  	_ =	sfence.sel $0x180000  }
0x132: {  	[bflag:$0x0] =	sbarrier.arrive $0xFFFF  }
0x133: {  	p0 =	sne.s32 s2, $0x0;
	_ =	strace $0x90000047  }
0x134: {  	s0 =	sadd.s32 @!p0 $0x100000, s0;
	[bflag:$0x2] =	sbarrier.arrive $0xFFFF  }
0x135: {  	[sflag:s0] =	ssyncadd.tile.s32 @!p0 $0x1;
	_ =	shalt  }
.Lfunc_end2:
_tile_overlayer_lowered:
.L_overlay_start_2:
0x136: {  	(tag) =	ssettag $0x2  }
0x137: {  	s0 =	rddreg [dreg:$0x0];
	s2 =	stileid.u32  }
0x138: {  	s1 =	rddreg [dreg:$0x1];
	p0 =	sne.s32 s2, $0x0  }
0x139: {  	s3 =	rddreg [dreg:$0x2];
	[bflag:$0x3] =	sbarrier.arrive $0xFFFF;
	s2 =	simm.s32 @!p0 $0x1C01  }
0x13a: {  	[timem:s3], [sflag:s2] =	dma.local @!p0 [hbm:s0], s1  }
0x13b: {  	s0 =	simm.s32 @!p0 $0x1  }
0x13c: {  	_ =	swait.ge @!p0 [sflag:s0], s1  }
0x13d: {  	s1 =	ssub.s32 @!p0 $0x0, s1;
	[sflag:s0] =	ssyncset.done @!p0 $0x0  }
0x13e: {  	[sflag:s0] =	ssyncadd.s32 @!p0 s1  }
0x13f: {  	[bflag:$0x3] =	sbarrier.arrive $0xFFFF  }
0x140: {  	_ =	shalt  }

</sc_bundles>
